<compile_context>
chip_gen: v7x
topology: tpu7x:2x2x1
jax: 0.10.2.dev20260603
libtpu: 0.0.44.dev20260713+nightly
codegen_flags: <defaults>
</compile_context>

<pallas_src>
import functools

import jax
import jax.numpy as jnp
from jax import lax
from jax.experimental import pallas as pl
from jax.experimental.pallas import tpu as pltpu
from jax.experimental.pallas import tpu_sc as plsc

N_NODES = 10000
D = 128
NPAD = 10240
ROWS_PER_TILE = NPAD // 16
CHUNK = 128
NCHUNK = 20
CROWS = 80
EDGES_PER_CORE = 40000
EDGES_PAD = 16 * NCHUNK * CHUNK


def _sc_accumulate(edges, x):
    mesh = plsc.VectorSubcoreMesh(core_axis_name="c", subcore_axis_name="s")

    @functools.partial(
        pl.kernel,
        out_type=(
            jax.ShapeDtypeStruct((2, NPAD, D), jnp.float32),
            jax.ShapeDtypeStruct((2, CROWS, 128), jnp.float32),
        ),
        mesh=mesh,
        compiler_params=pltpu.CompilerParams(needs_layout_passes=False),
        scratch_types=(
            pltpu.VMEM((2 * NCHUNK, CHUNK), jnp.int32),
            pltpu.VMEM((CHUNK, D), jnp.float32),
            pltpu.VMEM((CHUNK, D), jnp.float32),
            pltpu.VMEM((CROWS, 128), jnp.float32),
            pltpu.VMEM_SHARED((NPAD, D), jnp.float32),
            pltpu.VMEM_SHARED((CROWS, 128), jnp.float32),
            pltpu.SemaphoreType.DMA,
            pltpu.SemaphoreType.DMA,
            pltpu.SemaphoreType.DMA,
            pltpu.SemaphoreType.DMA,
        ),
    )
    def k(edges_hbm, x_hbm, agg_out, cnt_out,
          idx_loc, rows_a, rows_b, cnt_loc,
          agg_sh, cnt_sh, gsem_a, gsem_b, ssem_a, ssem_b):
        c = lax.axis_index("c")
        s = lax.axis_index("s")
        row0 = s * ROWS_PER_TILE

        zero16 = jnp.zeros((16,), jnp.float32)
        one16 = jnp.ones((16,), jnp.float32)
        iota16 = lax.iota(jnp.int32, 16)

        pltpu.sync_copy(edges_hbm.at[c, s], idx_loc)
        pltpu.async_copy(x_hbm.at[idx_loc.at[3]], rows_b, gsem_b)

        def fill_zero(i, carry):
            for q in range(D // 16):
                rows_a[i, pl.ds(q * 16, 16)] = zero16
            return carry
        lax.fori_loop(0, CHUNK, fill_zero, 0)

        def zero_sh(q, carry):
            pltpu.sync_copy(rows_a, agg_sh.at[pl.ds(row0 + q * CHUNK, CHUNK)])
            return carry
        lax.fori_loop(0, ROWS_PER_TILE // CHUNK, zero_sh, 0)

        @pl.when(s < CROWS // 8)
        def _():
            pltpu.sync_copy(rows_a.at[pl.ds(0, 8)],
                            cnt_sh.at[pl.ds(s * 8, 8)])

        pltpu.async_copy(x_hbm.at[idx_loc.at[1]], rows_a, gsem_a)

        def fill_cnt(i, carry):
            for q in range(128 // 16):
                cnt_loc[i, pl.ds(q * 16, 16)] = zero16
            return carry
        lax.fori_loop(0, CROWS, fill_cnt, 0)
        plsc.subcore_barrier()

        def counts(jr):
            for q in range(CHUNK // 16):
                idx16 = idx_loc[jr, pl.ds(q * 16, 16)]
                r = lax.shift_right_logical(idx16, 7)
                col = jnp.bitwise_and(idx16, 127)
                plsc.addupdate_scatter(cnt_loc, [r, col], one16)

        def step(i, carry):
            r0 = 4 * i
            pltpu.make_async_copy(x_hbm.at[idx_loc.at[r0 + 1]], rows_a,
                                  gsem_a).wait()
            sc_a = pltpu.async_copy(rows_a, agg_sh.at[idx_loc.at[r0]],
                                    ssem_a, add=True)
            counts(r0)
            pltpu.make_async_copy(x_hbm.at[idx_loc.at[r0 + 3]], rows_b,
                                  gsem_b).wait()
            sc_b = pltpu.async_copy(rows_b, agg_sh.at[idx_loc.at[r0 + 2]],
                                    ssem_b, add=True)
            counts(r0 + 2)
            sc_a.wait()

            @pl.when(r0 + 5 < 2 * NCHUNK)
            def _():
                pltpu.async_copy(x_hbm.at[idx_loc.at[r0 + 5]], rows_a, gsem_a)
            sc_b.wait()

            @pl.when(r0 + 7 < 2 * NCHUNK)
            def _():
                pltpu.async_copy(x_hbm.at[idx_loc.at[r0 + 7]], rows_b, gsem_b)
            return carry
        lax.fori_loop(0, NCHUNK // 2, step, 0)

        for q in range(CROWS // 16):
            pltpu.sync_copy(cnt_loc.at[pl.ds(q * 16, 16)],
                            cnt_sh.at[iota16 + q * 16], add=True)
        plsc.subcore_barrier()

        pltpu.sync_copy(agg_sh.at[pl.ds(row0, ROWS_PER_TILE)],
                        agg_out.at[c, pl.ds(row0, ROWS_PER_TILE)])

        @pl.when(s < CROWS // 8)
        def _():
            pltpu.sync_copy(cnt_sh.at[pl.ds(s * 8, 8)],
                            cnt_out.at[c, pl.ds(s * 8, 8)])

    return k(edges, x)


def _col(cnt2d):
    t = jnp.transpose(cnt2d)
    return jnp.concatenate([t[:, j:j + 1] for j in range(cnt2d.shape[0])],
                           axis=0)


def _tc_body(agg_ref, cnt_ref, w0t, w1t, wg0t, wg1t, b0r, b1r, bgr, o_ref):
    a4 = agg_ref[0]
    ad = agg_ref[1]
    c4 = _col(cnt_ref[0]) + 1e-6
    c8 = c4 + _col(cnt_ref[1])
    hp = jax.lax.Precision.DEFAULT
    A4 = a4 / c4
    A8 = (a4 + ad) / c8
    out0 = jnp.dot(A4, w0t[...], preferred_element_type=jnp.float32, precision=hp) + b0r[...]
    out1 = jnp.dot(A8, w1t[...], preferred_element_type=jnp.float32, precision=hp) + b1r[...]
    g = jax.nn.sigmoid(
        jnp.dot(out0, wg0t[...], preferred_element_type=jnp.float32, precision=hp)
        + jnp.dot(out1, wg1t[...], preferred_element_type=jnp.float32, precision=hp)
        + bgr[...])
    o_ref[...] = g * out0 + (1.0 - g) * out1


def _tc_fuse(agg, cnt, w0t, w1t, wg0t, wg1t, b0r, b1r, bgr):
    bm = 1024
    grid = (NPAD // bm,)
    full_w = pl.BlockSpec((D, D), lambda i: (0, 0))
    full_b = pl.BlockSpec((1, D), lambda i: (0, 0))
    return pl.pallas_call(
        _tc_body,
        grid=grid,
        in_specs=[
            pl.BlockSpec((2, bm, D), lambda i: (0, i, 0)),
            pl.BlockSpec((2, bm // 128, 128), lambda i: (0, i, 0)),
            full_w, full_w, full_w, full_w, full_b, full_b, full_b,
        ],
        out_specs=pl.BlockSpec((bm, D), lambda i: (i, 0)),
        out_shape=jax.ShapeDtypeStruct((N_NODES, D), jnp.float32),
    )(agg, cnt, w0t, w1t, wg0t, wg1t, b0r, b1r, bgr)


def kernel(x, edge_index, W0, b0, W1, b1, Wg, bg):
    src = edge_index[0, :2 * EDGES_PER_CORE].astype(jnp.int32)
    tgt = edge_index[1, :2 * EDGES_PER_CORE].astype(jnp.int32)

    pad_src = N_NODES + (jnp.arange(EDGES_PAD - EDGES_PER_CORE,
                                    dtype=jnp.int32) % (NPAD - N_NODES))
    pad_tgt = jnp.zeros((EDGES_PAD - EDGES_PER_CORE,), jnp.int32)
    srcs = jnp.stack([
        jnp.concatenate([src[:EDGES_PER_CORE], pad_src]),
        jnp.concatenate([src[EDGES_PER_CORE:], pad_src]),
    ]).reshape(2, 16, NCHUNK, CHUNK)
    tgts = jnp.stack([
        jnp.concatenate([tgt[:EDGES_PER_CORE], pad_tgt]),
        jnp.concatenate([tgt[EDGES_PER_CORE:], pad_tgt]),
    ]).reshape(2, 16, NCHUNK, CHUNK)
    edges = jnp.stack([srcs, tgts], axis=3).reshape(2, 16, 2 * NCHUNK, CHUNK)

    agg, cnt = _sc_accumulate(edges, x)

    return _tc_fuse(
        agg, cnt,
        W0.T, W1.T, Wg[:, :D].T, Wg[:, D:].T,
        b0[None, :], b1[None, :], bg[None, :],
    )

# --- scband reference (transcript-rebuilt; emitter-appended) ---
"""Pipeline reference for scband-multi-scale-graph-convolution-5222680232055 (READ-ONLY COPY).

The authoritative reference and input builder live on the scoring server;
editing this copy changes nothing except your own understanding.
"""

import jax, jax.numpy as jnp
import numpy as np

N_NODES = 10000
D_IN = 128
D_OUT = 128
N_EDGES = 320000
SCALES = [4, 8]


def _graph_conv(x, edge_index, W, b):
    N = x.shape[0]
    src = edge_index[0]
    tgt = edge_index[1]
    agg = jnp.zeros_like(x).at[src].add(x[tgt])
    counts = jnp.bincount(src, minlength=N, length=N).astype(jnp.float32)[:, None] + 1e-06
    agg = agg / counts
    return agg @ W.T + b


def setup_inputs(seed: int = 0) -> dict:
    key = jax.random.key(seed)
    ks = jax.random.split(key, 8)
    x = jax.random.normal(ks[0], (N_NODES, D_IN), dtype=jnp.float32)
    edge_index = jax.random.randint(ks[1], (2, N_EDGES), 0, N_NODES, dtype=jnp.int64) if jax.config.jax_enable_x64 else jax.random.randint(ks[1], (2, N_EDGES), 0, N_NODES).astype(jnp.int32)
    s = 1.0 / np.sqrt(D_IN)
    W0 = jax.random.uniform(ks[2], (D_OUT, D_IN), minval=-s, maxval=s, dtype=jnp.float32)
    b0 = jax.random.uniform(ks[3], (D_OUT,), minval=-s, maxval=s, dtype=jnp.float32)
    W1 = jax.random.uniform(ks[4], (D_OUT, D_IN), minval=-s, maxval=s, dtype=jnp.float32)
    b1 = jax.random.uniform(ks[5], (D_OUT,), minval=-s, maxval=s, dtype=jnp.float32)
    sg = 1.0 / np.sqrt(D_OUT * len(SCALES))
    Wg = jax.random.uniform(ks[6], (D_OUT, D_OUT * len(SCALES)), minval=-sg, maxval=sg, dtype=jnp.float32)
    bg = jax.random.uniform(ks[7], (D_OUT,), minval=-sg, maxval=sg, dtype=jnp.float32)
    return {"x": x, "edge_index": edge_index, "W0": W0, "b0": b0, "W1": W1, "b1": b1, "Wg": Wg, "bg": bg}


def reference(x, edge_index, W0, b0, W1, b1, Wg, bg):
    N = x.shape[0]
    total_edges = edge_index.shape[1]
    k_max = total_edges // N
    params = [(W0, b0), (W1, b1)]
    outputs = []
    for scale, (W, b) in zip(SCALES, params):
        sc = scale if scale <= k_max else k_max
        scale_edge = edge_index[:, : N * sc]
        out = _graph_conv(x, scale_edge, W, b)
        outputs.append(out)
    multi_scale_feat = jnp.concatenate(outputs, axis=-1)
    gate_weight = jax.nn.sigmoid(multi_scale_feat @ Wg.T + bg)
    fused = gate_weight * outputs[0] + (1.0 - gate_weight) * outputs[1]
    return fused

if __name__ == "__main__":
    import jax
    _d = setup_inputs()
    print(jax.jit(kernel)(*tuple(_d.values())))

</pallas_src>

<mosaic_0001>
#map = affine_map<(d0, d1) -> (0, 0, 0, 0)>
#map1 = affine_map<(d0, d1) -> (0, 0)>
#map2 = affine_map<(d0, d1) -> (0, 0, 0)>
module attributes {stable_mosaic.version = 14 : i64} {
  func.func @k(%arg0: i32, %arg1: i32, %arg2: memref<2x16x40x128xi32, #tpu.memory_space<hbm>>, %arg3: memref<10000x128xf32, #tpu.memory_space<hbm>>, %arg4: memref<2x10240x128xf32, #tpu.memory_space<hbm>>, %arg5: memref<2x80x128xf32, #tpu.memory_space<hbm>>, %arg6: memref<40x128xi32, #tpu.memory_space<vmem>>, %arg7: memref<128x128xf32, #tpu.memory_space<vmem>>, %arg8: memref<128x128xf32, #tpu.memory_space<vmem>>, %arg9: memref<80x128xf32, #tpu.memory_space<vmem>>, %arg10: memref<10240x128xf32, #tpu.memory_space<vmem_shared>>, %arg11: memref<80x128xf32, #tpu.memory_space<vmem_shared>>, %arg12: memref<!tpu.dma_semaphore, #tpu.memory_space<semaphore_mem>>, %arg13: memref<!tpu.dma_semaphore, #tpu.memory_space<semaphore_mem>>, %arg14: memref<!tpu.dma_semaphore, #tpu.memory_space<semaphore_mem>>, %arg15: memref<!tpu.dma_semaphore, #tpu.memory_space<semaphore_mem>>) attributes {dimension_semantics = [#tpu.dimension_semantics<core_parallel>, #tpu.dimension_semantics<subcore_parallel>], iteration_bounds = array<i64: 2, 16>, scalar_prefetch = 0 : i64, scratch_operands = 10 : i64, tpu.core_type = #tpu.core_type<sc_vector_subcore>, window_params = [{transform_indices = #map}, {transform_indices = #map1}, {transform_indices = #map2}, {transform_indices = #map2}]} {
    %mul3A = arith.constant 640 : i32
    %mul3A_0 = arith.muli %arg1, %mul3A : i32
    %broadcast_in_dim3A = arith.constant 0.000000e+00 : f32
    %broadcast_in_dim3A_1 = vector.broadcast %broadcast_in_dim3A : f32 to vector<16xf32>
    %broadcast_in_dim3A_2 = arith.constant 1.000000e+00 : f32
    %broadcast_in_dim3A_3 = vector.broadcast %broadcast_in_dim3A_2 : f32 to vector<16xf32>
    %iota3A = tpu.iota {dimensions = array<i32: 0>} : vector<16xi32>
    "tpu.region"() ({
      %run_scoped3A = tpu.sem_alloc : memref<!tpu.dma_semaphore, #tpu.memory_space<semaphore_mem>>
      %dma_start3A_62 = arith.constant 0 : i32
      %dma_start3A_63 = arith.constant 0 : i32
      %dma_start3A_64 = tpu.memref_slice %arg2[%arg0, %arg1, %dma_start3A_62, %dma_start3A_63] : memref<2x16x40x128xi32, #tpu.memory_space<hbm>> -> memref<1x1x40x128xi32, #tpu.memory_space<hbm>>
      %dma_start3A_65 = tpu.memref_squeeze %dma_start3A_64 : memref<1x1x40x128xi32, #tpu.memory_space<hbm>> -> memref<40x128xi32, #tpu.memory_space<hbm>>
      %dma_start3A_66 = arith.constant 0 : i32
      %dma_start3A_67 = arith.constant 0 : i32
      %dma_start3A_68 = tpu.memref_slice %arg2[%arg0, %arg1, %dma_start3A_66, %dma_start3A_67] : memref<2x16x40x128xi32, #tpu.memory_space<hbm>> -> memref<1x1x40x128xi32, #tpu.memory_space<hbm>>
      %dma_start3A_69 = tpu.memref_squeeze %dma_start3A_68 : memref<1x1x40x128xi32, #tpu.memory_space<hbm>> -> memref<40x128xi32, #tpu.memory_space<hbm>>
      tpu.enqueue_dma source(%dma_start3A_69 : memref<40x128xi32, #tpu.memory_space<hbm>>) target(%arg6 : memref<40x128xi32, #tpu.memory_space<vmem>>) target_semaphore(%run_scoped3A : memref<!tpu.dma_semaphore, #tpu.memory_space<semaphore_mem>>)
      %dma_wait3A = arith.constant 0 : i32
      %dma_wait3A_70 = arith.constant 0 : i32
      %dma_wait3A_71 = tpu.memref_slice %arg2[%arg0, %arg1, %dma_wait3A, %dma_wait3A_70] : memref<2x16x40x128xi32, #tpu.memory_space<hbm>> -> memref<1x1x40x128xi32, #tpu.memory_space<hbm>>
      %dma_wait3A_72 = tpu.memref_squeeze %dma_wait3A_71 : memref<1x1x40x128xi32, #tpu.memory_space<hbm>> -> memref<40x128xi32, #tpu.memory_space<hbm>>
      %dma_wait3A_73 = arith.constant 0 : i32
      %dma_wait3A_74 = arith.constant 0 : i32
      %dma_wait3A_75 = tpu.memref_slice %arg2[%arg0, %arg1, %dma_wait3A_73, %dma_wait3A_74] : memref<2x16x40x128xi32, #tpu.memory_space<hbm>> -> memref<1x1x40x128xi32, #tpu.memory_space<hbm>>
      %dma_wait3A_76 = tpu.memref_squeeze %dma_wait3A_75 : memref<1x1x40x128xi32, #tpu.memory_space<hbm>> -> memref<40x128xi32, #tpu.memory_space<hbm>>
      tpu.wait_dma2 semaphore(%run_scoped3A : memref<!tpu.dma_semaphore, #tpu.memory_space<semaphore_mem>>) src(%dma_wait3A_76 : memref<40x128xi32, #tpu.memory_space<hbm>>) dst(%arg6 : memref<40x128xi32, #tpu.memory_space<vmem>>)
      tpu.yield
    }) : () -> ()
    %dma_start3A = arith.constant 3 : i32
    %dma_start3A_4 = arith.constant 0 : i32
    %dma_start3A_5 = tpu.memref_slice %arg6[%dma_start3A, %dma_start3A_4] : memref<40x128xi32, #tpu.memory_space<vmem>> -> memref<1x128xi32, #tpu.memory_space<vmem>>
    %dma_start3A_6 = tpu.memref_squeeze %dma_start3A_5 : memref<1x128xi32, #tpu.memory_space<vmem>> -> memref<128xi32, #tpu.memory_space<vmem>>
    %dma_start3A_7 = arith.constant 0 : i32
    %dma_start3A_8 = arith.constant 0 : i32
    %dma_start3A_9 = tpu.memref_slice %arg3[%dma_start3A_7, %dma_start3A_8] : memref<10000x128xf32, #tpu.memory_space<hbm>> -> memref<10000x128xf32, #tpu.memory_space<hbm>>
    tpu.enqueue_indirect_dma source(%dma_start3A_9 : memref<10000x128xf32, #tpu.memory_space<hbm>>) target(%arg8 : memref<128x128xf32, #tpu.memory_space<vmem>>) offsets(%dma_start3A_6 : memref<128xi32, #tpu.memory_space<vmem>>) semaphore(%arg13 : memref<!tpu.dma_semaphore, #tpu.memory_space<semaphore_mem>>)
    %scan3A = arith.constant 0 : i32
    %scan3A_10 = arith.constant 0 : i32
    %scan3A_11 = arith.constant 128 : i32
    %scan3A_12 = arith.addi %scan3A_10, %scan3A_11 : i32
    %scan3A_13 = arith.constant 1 : i32
    scf.for %scan3A_62 = %scan3A_10 to %scan3A_12 step %scan3A_13  : i32 {
      %swap3A = arith.index_cast %scan3A_62 : i32 to index
      %swap3A_63 = arith.constant 0 : index
      %swap3A_64 = tpu.vector_load %arg7[%swap3A, %swap3A_63] {strides = array<i32>} : memref<128x128xf32, #tpu.memory_space<vmem>>, vector<16xf32>,
      tpu.vector_store %arg7[%swap3A, %swap3A_63], %broadcast_in_dim3A_1 {strides = array<i32>} : memref<128x128xf32, #tpu.memory_space<vmem>>, vector<16xf32>,
      %swap3A_65 = arith.index_cast %scan3A_62 : i32 to index
      %swap3A_66 = arith.constant 16 : index
      %swap3A_67 = tpu.vector_load %arg7[%swap3A_65, %swap3A_66] {strides = array<i32>} : memref<128x128xf32, #tpu.memory_space<vmem>>, vector<16xf32>,
      tpu.vector_store %arg7[%swap3A_65, %swap3A_66], %broadcast_in_dim3A_1 {strides = array<i32>} : memref<128x128xf32, #tpu.memory_space<vmem>>, vector<16xf32>,
      %swap3A_68 = arith.index_cast %scan3A_62 : i32 to index
      %swap3A_69 = arith.constant 32 : index
      %swap3A_70 = tpu.vector_load %arg7[%swap3A_68, %swap3A_69] {strides = array<i32>} : memref<128x128xf32, #tpu.memory_space<vmem>>, vector<16xf32>,
      tpu.vector_store %arg7[%swap3A_68, %swap3A_69], %broadcast_in_dim3A_1 {strides = array<i32>} : memref<128x128xf32, #tpu.memory_space<vmem>>, vector<16xf32>,
      %swap3A_71 = arith.index_cast %scan3A_62 : i32 to index
      %swap3A_72 = arith.constant 48 : index
      %swap3A_73 = tpu.vector_load %arg7[%swap3A_71, %swap3A_72] {strides = array<i32>} : memref<128x128xf32, #tpu.memory_space<vmem>>, vector<16xf32>,
      tpu.vector_store %arg7[%swap3A_71, %swap3A_72], %broadcast_in_dim3A_1 {strides = array<i32>} : memref<128x128xf32, #tpu.memory_space<vmem>>, vector<16xf32>,
      %swap3A_74 = arith.index_cast %scan3A_62 : i32 to index
      %swap3A_75 = arith.constant 64 : index
      %swap3A_76 = tpu.vector_load %arg7[%swap3A_74, %swap3A_75] {strides = array<i32>} : memref<128x128xf32, #tpu.memory_space<vmem>>, vector<16xf32>,
      tpu.vector_store %arg7[%swap3A_74, %swap3A_75], %broadcast_in_dim3A_1 {strides = array<i32>} : memref<128x128xf32, #tpu.memory_space<vmem>>, vector<16xf32>,
      %swap3A_77 = arith.index_cast %scan3A_62 : i32 to index
      %swap3A_78 = arith.constant 80 : index
      %swap3A_79 = tpu.vector_load %arg7[%swap3A_77, %swap3A_78] {strides = array<i32>} : memref<128x128xf32, #tpu.memory_space<vmem>>, vector<16xf32>,
      tpu.vector_store %arg7[%swap3A_77, %swap3A_78], %broadcast_in_dim3A_1 {strides = array<i32>} : memref<128x128xf32, #tpu.memory_space<vmem>>, vector<16xf32>,
      %swap3A_80 = arith.index_cast %scan3A_62 : i32 to index
      %swap3A_81 = arith.constant 96 : index
      %swap3A_82 = tpu.vector_load %arg7[%swap3A_80, %swap3A_81] {strides = array<i32>} : memref<128x128xf32, #tpu.memory_space<vmem>>, vector<16xf32>,
      tpu.vector_store %arg7[%swap3A_80, %swap3A_81], %broadcast_in_dim3A_1 {strides = array<i32>} : memref<128x128xf32, #tpu.memory_space<vmem>>, vector<16xf32>,
      %swap3A_83 = arith.index_cast %scan3A_62 : i32 to index
      %swap3A_84 = arith.constant 112 : index
      %swap3A_85 = tpu.vector_load %arg7[%swap3A_83, %swap3A_84] {strides = array<i32>} : memref<128x128xf32, #tpu.memory_space<vmem>>, vector<16xf32>,
      tpu.vector_store %arg7[%swap3A_83, %swap3A_84], %broadcast_in_dim3A_1 {strides = array<i32>} : memref<128x128xf32, #tpu.memory_space<vmem>>, vector<16xf32>,
    }
    %scan3A_14 = arith.constant 128 : i32
    %scan3A_15 = arith.constant 0 : i32
    %scan3A_16 = arith.constant 0 : i32
    %scan3A_17 = arith.constant 5 : i32
    %scan3A_18 = arith.addi %scan3A_16, %scan3A_17 : i32
    %scan3A_19 = arith.constant 1 : i32
    scf.for %scan3A_62 = %scan3A_16 to %scan3A_18 step %scan3A_19  : i32 {
      %mul3A_63 = arith.constant 128 : i32
      %mul3A_64 = arith.muli %scan3A_62, %mul3A_63 : i32
      %add3A_65 = arith.addi %mul3A_0, %mul3A_64 : i32
      "tpu.region"() ({
        %run_scoped3A = tpu.sem_alloc : memref<!tpu.dma_semaphore, #tpu.memory_space<semaphore_mem>>
        %dma_start3A_66 = arith.constant 0 : i32
        %dma_start3A_67 = tpu.memref_slice %arg10[%add3A_65, %dma_start3A_66] : memref<10240x128xf32, #tpu.memory_space<vmem_shared>> -> memref<128x128xf32, #tpu.memory_space<vmem_shared>>
        %dma_start3A_68 = arith.constant 0 : i32
        %dma_start3A_69 = tpu.memref_slice %arg10[%add3A_65, %dma_start3A_68] : memref<10240x128xf32, #tpu.memory_space<vmem_shared>> -> memref<128x128xf32, #tpu.memory_space<vmem_shared>>
        tpu.enqueue_dma source(%arg7 : memref<128x128xf32, #tpu.memory_space<vmem>>) target(%dma_start3A_69 : memref<128x128xf32, #tpu.memory_space<vmem_shared>>) target_semaphore(%run_scoped3A : memref<!tpu.dma_semaphore, #tpu.memory_space<semaphore_mem>>)
        %dma_wait3A = arith.constant 0 : i32
        %dma_wait3A_70 = tpu.memref_slice %arg10[%add3A_65, %dma_wait3A] : memref<10240x128xf32, #tpu.memory_space<vmem_shared>> -> memref<128x128xf32, #tpu.memory_space<vmem_shared>>
        %dma_wait3A_71 = arith.constant 0 : i32
        %dma_wait3A_72 = tpu.memref_slice %arg10[%add3A_65, %dma_wait3A_71] : memref<10240x128xf32, #tpu.memory_space<vmem_shared>> -> memref<128x128xf32, #tpu.memory_space<vmem_shared>>
        tpu.wait_dma2 semaphore(%run_scoped3A : memref<!tpu.dma_semaphore, #tpu.memory_space<semaphore_mem>>) src(%arg7 : memref<128x128xf32, #tpu.memory_space<vmem>>) dst(%dma_wait3A_72 : memref<128x128xf32, #tpu.memory_space<vmem_shared>>)
        tpu.yield
      }) : () -> ()
    }
    %scan3A_20 = arith.constant 5 : i32
    %lt3A = arith.constant 10 : i32
    %lt3A_21 = arith.cmpi slt, %arg1, %lt3A : i32
    %convert_element_type3A = arith.extui %lt3A_21 : i1 to i32
    %cond3A = arith.constant 0 : i32
    %cond3A_22 = arith.cmpi ne, %convert_element_type3A, %cond3A : i32
    scf.if %cond3A_22 {
      %mul3A_62 = arith.constant 8 : i32
      %mul3A_63 = arith.muli %arg1, %mul3A_62 : i32
      "tpu.region"() ({
        %run_scoped3A = tpu.sem_alloc : memref<!tpu.dma_semaphore, #tpu.memory_space<semaphore_mem>>
        %dma_start3A_64 = arith.constant 0 : i32
        %dma_start3A_65 = arith.constant 0 : i32
        %dma_start3A_66 = tpu.memref_slice %arg7[%dma_start3A_64, %dma_start3A_65] : memref<128x128xf32, #tpu.memory_space<vmem>> -> memref<8x128xf32, #tpu.memory_space<vmem>>
        %dma_start3A_67 = arith.constant 0 : i32
        %dma_start3A_68 = tpu.memref_slice %arg11[%mul3A_63, %dma_start3A_67] : memref<80x128xf32, #tpu.memory_space<vmem_shared>> -> memref<8x128xf32, #tpu.memory_space<vmem_shared>>
        %dma_start3A_69 = arith.constant 0 : i32
        %dma_start3A_70 = tpu.memref_slice %arg11[%mul3A_63, %dma_start3A_69] : memref<80x128xf32, #tpu.memory_space<vmem_shared>> -> memref<8x128xf32, #tpu.memory_space<vmem_shared>>
        %dma_start3A_71 = arith.constant 0 : i32
        %dma_start3A_72 = arith.constant 0 : i32
        %dma_start3A_73 = tpu.memref_slice %arg7[%dma_start3A_71, %dma_start3A_72] : memref<128x128xf32, #tpu.memory_space<vmem>> -> memref<8x128xf32, #tpu.memory_space<vmem>>
        tpu.enqueue_dma source(%dma_start3A_73 : memref<8x128xf32, #tpu.memory_space<vmem>>) target(%dma_start3A_70 : memref<8x128xf32, #tpu.memory_space<vmem_shared>>) target_semaphore(%run_scoped3A : memref<!tpu.dma_semaphore, #tpu.memory_space<semaphore_mem>>)
        %dma_wait3A = arith.constant 0 : i32
        %dma_wait3A_74 = arith.constant 0 : i32
        %dma_wait3A_75 = tpu.memref_slice %arg7[%dma_wait3A, %dma_wait3A_74] : memref<128x128xf32, #tpu.memory_space<vmem>> -> memref<8x128xf32, #tpu.memory_space<vmem>>
        %dma_wait3A_76 = arith.constant 0 : i32
        %dma_wait3A_77 = tpu.memref_slice %arg11[%mul3A_63, %dma_wait3A_76] : memref<80x128xf32, #tpu.memory_space<vmem_shared>> -> memref<8x128xf32, #tpu.memory_space<vmem_shared>>
        %dma_wait3A_78 = arith.constant 0 : i32
        %dma_wait3A_79 = tpu.memref_slice %arg11[%mul3A_63, %dma_wait3A_78] : memref<80x128xf32, #tpu.memory_space<vmem_shared>> -> memref<8x128xf32, #tpu.memory_space<vmem_shared>>
        %dma_wait3A_80 = arith.constant 0 : i32
        %dma_wait3A_81 = arith.constant 0 : i32
        %dma_wait3A_82 = tpu.memref_slice %arg7[%dma_wait3A_80, %dma_wait3A_81] : memref<128x128xf32, #tpu.memory_space<vmem>> -> memref<8x128xf32, #tpu.memory_space<vmem>>
        tpu.wait_dma2 semaphore(%run_scoped3A : memref<!tpu.dma_semaphore, #tpu.memory_space<semaphore_mem>>) src(%dma_wait3A_82 : memref<8x128xf32, #tpu.memory_space<vmem>>) dst(%dma_wait3A_79 : memref<8x128xf32, #tpu.memory_space<vmem_shared>>)
        tpu.yield
      }) : () -> ()
    } else {
    }
    %dma_start3A_23 = arith.constant 1 : i32
    %dma_start3A_24 = arith.constant 0 : i32
    %dma_start3A_25 = tpu.memref_slice %arg6[%dma_start3A_23, %dma_start3A_24] : memref<40x128xi32, #tpu.memory_space<vmem>> -> memref<1x128xi32, #tpu.memory_space<vmem>>
    %dma_start3A_26 = tpu.memref_squeeze %dma_start3A_25 : memref<1x128xi32, #tpu.memory_space<vmem>> -> memref<128xi32, #tpu.memory_space<vmem>>
    %dma_start3A_27 = arith.constant 0 : i32
    %dma_start3A_28 = arith.constant 0 : i32
    %dma_start3A_29 = tpu.memref_slice %arg3[%dma_start3A_27, %dma_start3A_28] : memref<10000x128xf32, #tpu.memory_space<hbm>> -> memref<10000x128xf32, #tpu.memory_space<hbm>>
    tpu.enqueue_indirect_dma source(%dma_start3A_29 : memref<10000x128xf32, #tpu.memory_space<hbm>>) target(%arg7 : memref<128x128xf32, #tpu.memory_space<vmem>>) offsets(%dma_start3A_26 : memref<128xi32, #tpu.memory_space<vmem>>) semaphore(%arg12 : memref<!tpu.dma_semaphore, #tpu.memory_space<semaphore_mem>>)
    %scan3A_30 = arith.constant 0 : i32
    %scan3A_31 = arith.constant 0 : i32
    %scan3A_32 = arith.constant 80 : i32
    %scan3A_33 = arith.addi %scan3A_31, %scan3A_32 : i32
    %scan3A_34 = arith.constant 1 : i32
    scf.for %scan3A_62 = %scan3A_31 to %scan3A_33 step %scan3A_34  : i32 {
      %swap3A = arith.index_cast %scan3A_62 : i32 to index
      %swap3A_63 = arith.constant 0 : index
      %swap3A_64 = tpu.vector_load %arg9[%swap3A, %swap3A_63] {strides = array<i32>} : memref<80x128xf32, #tpu.memory_space<vmem>>, vector<16xf32>,
      tpu.vector_store %arg9[%swap3A, %swap3A_63], %broadcast_in_dim3A_1 {strides = array<i32>} : memref<80x128xf32, #tpu.memory_space<vmem>>, vector<16xf32>,
      %swap3A_65 = arith.index_cast %scan3A_62 : i32 to index
      %swap3A_66 = arith.constant 16 : index
      %swap3A_67 = tpu.vector_load %arg9[%swap3A_65, %swap3A_66] {strides = array<i32>} : memref<80x128xf32, #tpu.memory_space<vmem>>, vector<16xf32>,
      tpu.vector_store %arg9[%swap3A_65, %swap3A_66], %broadcast_in_dim3A_1 {strides = array<i32>} : memref<80x128xf32, #tpu.memory_space<vmem>>, vector<16xf32>,
      %swap3A_68 = arith.index_cast %scan3A_62 : i32 to index
      %swap3A_69 = arith.constant 32 : index
      %swap3A_70 = tpu.vector_load %arg9[%swap3A_68, %swap3A_69] {strides = array<i32>} : memref<80x128xf32, #tpu.memory_space<vmem>>, vector<16xf32>,
      tpu.vector_store %arg9[%swap3A_68, %swap3A_69], %broadcast_in_dim3A_1 {strides = array<i32>} : memref<80x128xf32, #tpu.memory_space<vmem>>, vector<16xf32>,
      %swap3A_71 = arith.index_cast %scan3A_62 : i32 to index
      %swap3A_72 = arith.constant 48 : index
      %swap3A_73 = tpu.vector_load %arg9[%swap3A_71, %swap3A_72] {strides = array<i32>} : memref<80x128xf32, #tpu.memory_space<vmem>>, vector<16xf32>,
      tpu.vector_store %arg9[%swap3A_71, %swap3A_72], %broadcast_in_dim3A_1 {strides = array<i32>} : memref<80x128xf32, #tpu.memory_space<vmem>>, vector<16xf32>,
      %swap3A_74 = arith.index_cast %scan3A_62 : i32 to index
      %swap3A_75 = arith.constant 64 : index
      %swap3A_76 = tpu.vector_load %arg9[%swap3A_74, %swap3A_75] {strides = array<i32>} : memref<80x128xf32, #tpu.memory_space<vmem>>, vector<16xf32>,
      tpu.vector_store %arg9[%swap3A_74, %swap3A_75], %broadcast_in_dim3A_1 {strides = array<i32>} : memref<80x128xf32, #tpu.memory_space<vmem>>, vector<16xf32>,
      %swap3A_77 = arith.index_cast %scan3A_62 : i32 to index
      %swap3A_78 = arith.constant 80 : index
      %swap3A_79 = tpu.vector_load %arg9[%swap3A_77, %swap3A_78] {strides = array<i32>} : memref<80x128xf32, #tpu.memory_space<vmem>>, vector<16xf32>,
      tpu.vector_store %arg9[%swap3A_77, %swap3A_78], %broadcast_in_dim3A_1 {strides = array<i32>} : memref<80x128xf32, #tpu.memory_space<vmem>>, vector<16xf32>,
      %swap3A_80 = arith.index_cast %scan3A_62 : i32 to index
      %swap3A_81 = arith.constant 96 : index
      %swap3A_82 = tpu.vector_load %arg9[%swap3A_80, %swap3A_81] {strides = array<i32>} : memref<80x128xf32, #tpu.memory_space<vmem>>, vector<16xf32>,
      tpu.vector_store %arg9[%swap3A_80, %swap3A_81], %broadcast_in_dim3A_1 {strides = array<i32>} : memref<80x128xf32, #tpu.memory_space<vmem>>, vector<16xf32>,
      %swap3A_83 = arith.index_cast %scan3A_62 : i32 to index
      %swap3A_84 = arith.constant 112 : index
      %swap3A_85 = tpu.vector_load %arg9[%swap3A_83, %swap3A_84] {strides = array<i32>} : memref<80x128xf32, #tpu.memory_space<vmem>>, vector<16xf32>,
      tpu.vector_store %arg9[%swap3A_83, %swap3A_84], %broadcast_in_dim3A_1 {strides = array<i32>} : memref<80x128xf32, #tpu.memory_space<vmem>>, vector<16xf32>,
    }
    %scan3A_35 = arith.constant 80 : i32
    %barrier3A = arith.constant 0 : index
    tpu.barrier barrier_id(%barrier3A)
    %scan3A_36 = arith.constant 0 : i32
    %scan3A_37 = arith.constant 0 : i32
    %scan3A_38 = arith.constant 10 : i32
    %scan3A_39 = arith.addi %scan3A_37, %scan3A_38 : i32
    %scan3A_40 = arith.constant 1 : i32
    scf.for %scan3A_62 = %scan3A_37 to %scan3A_39 step %scan3A_40  : i32 {
      %mul3A_63 = arith.constant 4 : i32
      %mul3A_64 = arith.muli %mul3A_63, %scan3A_62 : i32
      %add3A_65 = arith.constant 1 : i32
      %add3A_66 = arith.addi %mul3A_64, %add3A_65 : i32
      %dma_wait3A = arith.constant 0 : i32
      %dma_wait3A_67 = tpu.memref_slice %arg6[%add3A_66, %dma_wait3A] : memref<40x128xi32, #tpu.memory_space<vmem>> -> memref<1x128xi32, #tpu.memory_space<vmem>>
      %dma_wait3A_68 = tpu.memref_squeeze %dma_wait3A_67 : memref<1x128xi32, #tpu.memory_space<vmem>> -> memref<128xi32, #tpu.memory_space<vmem>>
      %dma_wait3A_69 = arith.constant 0 : i32
      %dma_wait3A_70 = arith.constant 0 : i32
      %dma_wait3A_71 = tpu.memref_slice %arg3[%dma_wait3A_69, %dma_wait3A_70] : memref<10000x128xf32, #tpu.memory_space<hbm>> -> memref<10000x128xf32, #tpu.memory_space<hbm>>
      tpu.wait_indirect_dma semaphore(%arg12 : memref<!tpu.dma_semaphore, #tpu.memory_space<semaphore_mem>>) src(%dma_wait3A_71 : memref<10000x128xf32, #tpu.memory_space<hbm>>) dst(%arg7 : memref<128x128xf32, #tpu.memory_space<vmem>>)
      %dma_start3A_72 = arith.constant 0 : i32
      %dma_start3A_73 = tpu.memref_slice %arg6[%mul3A_64, %dma_start3A_72] : memref<40x128xi32, #tpu.memory_space<vmem>> -> memref<1x128xi32, #tpu.memory_space<vmem>>
      %dma_start3A_74 = tpu.memref_squeeze %dma_start3A_73 : memref<1x128xi32, #tpu.memory_space<vmem>> -> memref<128xi32, #tpu.memory_space<vmem>>
      %dma_start3A_75 = arith.constant 0 : i32
      %dma_start3A_76 = arith.constant 0 : i32
      %dma_start3A_77 = tpu.memref_slice %arg10[%dma_start3A_75, %dma_start3A_76] : memref<10240x128xf32, #tpu.memory_space<vmem_shared>> -> memref<10240x128xf32, #tpu.memory_space<vmem_shared>>
      tpu.enqueue_indirect_dma source(%arg7 : memref<128x128xf32, #tpu.memory_space<vmem>>) target(%dma_start3A_77 : memref<10240x128xf32, #tpu.memory_space<vmem_shared>>) offsets(%dma_start3A_74 : memref<128xi32, #tpu.memory_space<vmem>>) semaphore(%arg14 : memref<!tpu.dma_semaphore, #tpu.memory_space<semaphore_mem>>) {add = true}
      %get3A = arith.index_cast %mul3A_64 : i32 to index
      %get3A_78 = arith.constant 0 : index
      %get3A_79 = tpu.vector_load %arg6[%get3A, %get3A_78] {strides = array<i32>} : memref<40x128xi32, #tpu.memory_space<vmem>>, vector<16xi32>,
      %shift_right_logical3A = arith.constant 7 : i32
      %shift_right_logical3A_80 = vector.broadcast %shift_right_logical3A : i32 to vector<16xi32>
      %shift_right_logical3A_81 = arith.shrui %get3A_79, %shift_right_logical3A_80 : vector<16xi32>
      %and3A = arith.constant 127 : i32
      %and3A_82 = vector.broadcast %and3A : i32 to vector<16xi32>
      %and3A_83 = arith.andi %get3A_79, %and3A_82 : vector<16xi32>
      tpu.vector_store_idx %arg9[%shift_right_logical3A_81, %and3A_83], %broadcast_in_dim3A_3 {add = true} : memref<80x128xf32, #tpu.memory_space<vmem>>[vector<16xi32>, vector<16xi32>], vector<16xf32>,
      %get3A_84 = arith.index_cast %mul3A_64 : i32 to index
      %get3A_85 = arith.constant 16 : index
      %get3A_86 = tpu.vector_load %arg6[%get3A_84, %get3A_85] {strides = array<i32>} : memref<40x128xi32, #tpu.memory_space<vmem>>, vector<16xi32>,
      %shift_right_logical3A_87 = arith.constant 7 : i32
      %shift_right_logical3A_88 = vector.broadcast %shift_right_logical3A_87 : i32 to vector<16xi32>
      %shift_right_logical3A_89 = arith.shrui %get3A_86, %shift_right_logical3A_88 : vector<16xi32>
      %and3A_90 = arith.constant 127 : i32
      %and3A_91 = vector.broadcast %and3A_90 : i32 to vector<16xi32>
      %and3A_92 = arith.andi %get3A_86, %and3A_91 : vector<16xi32>
      tpu.vector_store_idx %arg9[%shift_right_logical3A_89, %and3A_92], %broadcast_in_dim3A_3 {add = true} : memref<80x128xf32, #tpu.memory_space<vmem>>[vector<16xi32>, vector<16xi32>], vector<16xf32>,
      %get3A_93 = arith.index_cast %mul3A_64 : i32 to index
      %get3A_94 = arith.constant 32 : index
      %get3A_95 = tpu.vector_load %arg6[%get3A_93, %get3A_94] {strides = array<i32>} : memref<40x128xi32, #tpu.memory_space<vmem>>, vector<16xi32>,
      %shift_right_logical3A_96 = arith.constant 7 : i32
      %shift_right_logical3A_97 = vector.broadcast %shift_right_logical3A_96 : i32 to vector<16xi32>
      %shift_right_logical3A_98 = arith.shrui %get3A_95, %shift_right_logical3A_97 : vector<16xi32>
      %and3A_99 = arith.constant 127 : i32
      %and3A_100 = vector.broadcast %and3A_99 : i32 to vector<16xi32>
      %and3A_101 = arith.andi %get3A_95, %and3A_100 : vector<16xi32>
      tpu.vector_store_idx %arg9[%shift_right_logical3A_98, %and3A_101], %broadcast_in_dim3A_3 {add = true} : memref<80x128xf32, #tpu.memory_space<vmem>>[vector<16xi32>, vector<16xi32>], vector<16xf32>,
      %get3A_102 = arith.index_cast %mul3A_64 : i32 to index
      %get3A_103 = arith.constant 48 : index
      %get3A_104 = tpu.vector_load %arg6[%get3A_102, %get3A_103] {strides = array<i32>} : memref<40x128xi32, #tpu.memory_space<vmem>>, vector<16xi32>,
      %shift_right_logical3A_105 = arith.constant 7 : i32
      %shift_right_logical3A_106 = vector.broadcast %shift_right_logical3A_105 : i32 to vector<16xi32>
      %shift_right_logical3A_107 = arith.shrui %get3A_104, %shift_right_logical3A_106 : vector<16xi32>
      %and3A_108 = arith.constant 127 : i32
      %and3A_109 = vector.broadcast %and3A_108 : i32 to vector<16xi32>
      %and3A_110 = arith.andi %get3A_104, %and3A_109 : vector<16xi32>
      tpu.vector_store_idx %arg9[%shift_right_logical3A_107, %and3A_110], %broadcast_in_dim3A_3 {add = true} : memref<80x128xf32, #tpu.memory_space<vmem>>[vector<16xi32>, vector<16xi32>], vector<16xf32>,
      %get3A_111 = arith.index_cast %mul3A_64 : i32 to index
      %get3A_112 = arith.constant 64 : index
      %get3A_113 = tpu.vector_load %arg6[%get3A_111, %get3A_112] {strides = array<i32>} : memref<40x128xi32, #tpu.memory_space<vmem>>, vector<16xi32>,
      %shift_right_logical3A_114 = arith.constant 7 : i32
      %shift_right_logical3A_115 = vector.broadcast %shift_right_logical3A_114 : i32 to vector<16xi32>
      %shift_right_logical3A_116 = arith.shrui %get3A_113, %shift_right_logical3A_115 : vector<16xi32>
      %and3A_117 = arith.constant 127 : i32
      %and3A_118 = vector.broadcast %and3A_117 : i32 to vector<16xi32>
      %and3A_119 = arith.andi %get3A_113, %and3A_118 : vector<16xi32>
      tpu.vector_store_idx %arg9[%shift_right_logical3A_116, %and3A_119], %broadcast_in_dim3A_3 {add = true} : memref<80x128xf32, #tpu.memory_space<vmem>>[vector<16xi32>, vector<16xi32>], vector<16xf32>,
      %get3A_120 = arith.index_cast %mul3A_64 : i32 to index
      %get3A_121 = arith.constant 80 : index
      %get3A_122 = tpu.vector_load %arg6[%get3A_120, %get3A_121] {strides = array<i32>} : memref<40x128xi32, #tpu.memory_space<vmem>>, vector<16xi32>,
      %shift_right_logical3A_123 = arith.constant 7 : i32
      %shift_right_logical3A_124 = vector.broadcast %shift_right_logical3A_123 : i32 to vector<16xi32>
      %shift_right_logical3A_125 = arith.shrui %get3A_122, %shift_right_logical3A_124 : vector<16xi32>
      %and3A_126 = arith.constant 127 : i32
      %and3A_127 = vector.broadcast %and3A_126 : i32 to vector<16xi32>
      %and3A_128 = arith.andi %get3A_122, %and3A_127 : vector<16xi32>
      tpu.vector_store_idx %arg9[%shift_right_logical3A_125, %and3A_128], %broadcast_in_dim3A_3 {add = true} : memref<80x128xf32, #tpu.memory_space<vmem>>[vector<16xi32>, vector<16xi32>], vector<16xf32>,
      %get3A_129 = arith.index_cast %mul3A_64 : i32 to index
      %get3A_130 = arith.constant 96 : index
      %get3A_131 = tpu.vector_load %arg6[%get3A_129, %get3A_130] {strides = array<i32>} : memref<40x128xi32, #tpu.memory_space<vmem>>, vector<16xi32>,
      %shift_right_logical3A_132 = arith.constant 7 : i32
      %shift_right_logical3A_133 = vector.broadcast %shift_right_logical3A_132 : i32 to vector<16xi32>
      %shift_right_logical3A_134 = arith.shrui %get3A_131, %shift_right_logical3A_133 : vector<16xi32>
      %and3A_135 = arith.constant 127 : i32
      %and3A_136 = vector.broadcast %and3A_135 : i32 to vector<16xi32>
      %and3A_137 = arith.andi %get3A_131, %and3A_136 : vector<16xi32>
      tpu.vector_store_idx %arg9[%shift_right_logical3A_134, %and3A_137], %broadcast_in_dim3A_3 {add = true} : memref<80x128xf32, #tpu.memory_space<vmem>>[vector<16xi32>, vector<16xi32>], vector<16xf32>,
      %get3A_138 = arith.index_cast %mul3A_64 : i32 to index
      %get3A_139 = arith.constant 112 : index
      %get3A_140 = tpu.vector_load %arg6[%get3A_138, %get3A_139] {strides = array<i32>} : memref<40x128xi32, #tpu.memory_space<vmem>>, vector<16xi32>,
      %shift_right_logical3A_141 = arith.constant 7 : i32
      %shift_right_logical3A_142 = vector.broadcast %shift_right_logical3A_141 : i32 to vector<16xi32>
      %shift_right_logical3A_143 = arith.shrui %get3A_140, %shift_right_logical3A_142 : vector<16xi32>
      %and3A_144 = arith.constant 127 : i32
      %and3A_145 = vector.broadcast %and3A_144 : i32 to vector<16xi32>
      %and3A_146 = arith.andi %get3A_140, %and3A_145 : vector<16xi32>
      tpu.vector_store_idx %arg9[%shift_right_logical3A_143, %and3A_146], %broadcast_in_dim3A_3 {add = true} : memref<80x128xf32, #tpu.memory_space<vmem>>[vector<16xi32>, vector<16xi32>], vector<16xf32>,
      %add3A_147 = arith.constant 3 : i32
      %add3A_148 = arith.addi %mul3A_64, %add3A_147 : i32
      %dma_wait3A_149 = arith.constant 0 : i32
      %dma_wait3A_150 = tpu.memref_slice %arg6[%add3A_148, %dma_wait3A_149] : memref<40x128xi32, #tpu.memory_space<vmem>> -> memref<1x128xi32, #tpu.memory_space<vmem>>
      %dma_wait3A_151 = tpu.memref_squeeze %dma_wait3A_150 : memref<1x128xi32, #tpu.memory_space<vmem>> -> memref<128xi32, #tpu.memory_space<vmem>>
      %dma_wait3A_152 = arith.constant 0 : i32
      %dma_wait3A_153 = arith.constant 0 : i32
      %dma_wait3A_154 = tpu.memref_slice %arg3[%dma_wait3A_152, %dma_wait3A_153] : memref<10000x128xf32, #tpu.memory_space<hbm>> -> memref<10000x128xf32, #tpu.memory_space<hbm>>
      tpu.wait_indirect_dma semaphore(%arg13 : memref<!tpu.dma_semaphore, #tpu.memory_space<semaphore_mem>>) src(%dma_wait3A_154 : memref<10000x128xf32, #tpu.memory_space<hbm>>) dst(%arg8 : memref<128x128xf32, #tpu.memory_space<vmem>>)
      %add3A_155 = arith.constant 2 : i32
      %add3A_156 = arith.addi %mul3A_64, %add3A_155 : i32
      %dma_start3A_157 = arith.constant 0 : i32
      %dma_start3A_158 = tpu.memref_slice %arg6[%add3A_156, %dma_start3A_157] : memref<40x128xi32, #tpu.memory_space<vmem>> -> memref<1x128xi32, #tpu.memory_space<vmem>>
      %dma_start3A_159 = tpu.memref_squeeze %dma_start3A_158 : memref<1x128xi32, #tpu.memory_space<vmem>> -> memref<128xi32, #tpu.memory_space<vmem>>
      %dma_start3A_160 = arith.constant 0 : i32
      %dma_start3A_161 = arith.constant 0 : i32
      %dma_start3A_162 = tpu.memref_slice %arg10[%dma_start3A_160, %dma_start3A_161] : memref<10240x128xf32, #tpu.memory_space<vmem_shared>> -> memref<10240x128xf32, #tpu.memory_space<vmem_shared>>
      tpu.enqueue_indirect_dma source(%arg8 : memref<128x128xf32, #tpu.memory_space<vmem>>) target(%dma_start3A_162 : memref<10240x128xf32, #tpu.memory_space<vmem_shared>>) offsets(%dma_start3A_159 : memref<128xi32, #tpu.memory_space<vmem>>) semaphore(%arg15 : memref<!tpu.dma_semaphore, #tpu.memory_space<semaphore_mem>>) {add = true}
      %add3A_163 = arith.constant 2 : i32
      %add3A_164 = arith.addi %mul3A_64, %add3A_163 : i32
      %get3A_165 = arith.index_cast %add3A_164 : i32 to index
      %get3A_166 = arith.constant 0 : index
      %get3A_167 = tpu.vector_load %arg6[%get3A_165, %get3A_166] {strides = array<i32>} : memref<40x128xi32, #tpu.memory_space<vmem>>, vector<16xi32>,
      %shift_right_logical3A_168 = arith.constant 7 : i32
      %shift_right_logical3A_169 = vector.broadcast %shift_right_logical3A_168 : i32 to vector<16xi32>
      %shift_right_logical3A_170 = arith.shrui %get3A_167, %shift_right_logical3A_169 : vector<16xi32>
      %and3A_171 = arith.constant 127 : i32
      %and3A_172 = vector.broadcast %and3A_171 : i32 to vector<16xi32>
      %and3A_173 = arith.andi %get3A_167, %and3A_172 : vector<16xi32>
      tpu.vector_store_idx %arg9[%shift_right_logical3A_170, %and3A_173], %broadcast_in_dim3A_3 {add = true} : memref<80x128xf32, #tpu.memory_space<vmem>>[vector<16xi32>, vector<16xi32>], vector<16xf32>,
      %get3A_174 = arith.index_cast %add3A_164 : i32 to index
      %get3A_175 = arith.constant 16 : index
      %get3A_176 = tpu.vector_load %arg6[%get3A_174, %get3A_175] {strides = array<i32>} : memref<40x128xi32, #tpu.memory_space<vmem>>, vector<16xi32>,
      %shift_right_logical3A_177 = arith.constant 7 : i32
      %shift_right_logical3A_178 = vector.broadcast %shift_right_logical3A_177 : i32 to vector<16xi32>
      %shift_right_logical3A_179 = arith.shrui %get3A_176, %shift_right_logical3A_178 : vector<16xi32>
      %and3A_180 = arith.constant 127 : i32
      %and3A_181 = vector.broadcast %and3A_180 : i32 to vector<16xi32>
      %and3A_182 = arith.andi %get3A_176, %and3A_181 : vector<16xi32>
      tpu.vector_store_idx %arg9[%shift_right_logical3A_179, %and3A_182], %broadcast_in_dim3A_3 {add = true} : memref<80x128xf32, #tpu.memory_space<vmem>>[vector<16xi32>, vector<16xi32>], vector<16xf32>,
      %get3A_183 = arith.index_cast %add3A_164 : i32 to index
      %get3A_184 = arith.constant 32 : index
      %get3A_185 = tpu.vector_load %arg6[%get3A_183, %get3A_184] {strides = array<i32>} : memref<40x128xi32, #tpu.memory_space<vmem>>, vector<16xi32>,
      %shift_right_logical3A_186 = arith.constant 7 : i32
      %shift_right_logical3A_187 = vector.broadcast %shift_right_logical3A_186 : i32 to vector<16xi32>
      %shift_right_logical3A_188 = arith.shrui %get3A_185, %shift_right_logical3A_187 : vector<16xi32>
      %and3A_189 = arith.constant 127 : i32
      %and3A_190 = vector.broadcast %and3A_189 : i32 to vector<16xi32>
      %and3A_191 = arith.andi %get3A_185, %and3A_190 : vector<16xi32>
      tpu.vector_store_idx %arg9[%shift_right_logical3A_188, %and3A_191], %broadcast_in_dim3A_3 {add = true} : memref<80x128xf32, #tpu.memory_space<vmem>>[vector<16xi32>, vector<16xi32>], vector<16xf32>,
      %get3A_192 = arith.index_cast %add3A_164 : i32 to index
      %get3A_193 = arith.constant 48 : index
      %get3A_194 = tpu.vector_load %arg6[%get3A_192, %get3A_193] {strides = array<i32>} : memref<40x128xi32, #tpu.memory_space<vmem>>, vector<16xi32>,
      %shift_right_logical3A_195 = arith.constant 7 : i32
      %shift_right_logical3A_196 = vector.broadcast %shift_right_logical3A_195 : i32 to vector<16xi32>
      %shift_right_logical3A_197 = arith.shrui %get3A_194, %shift_right_logical3A_196 : vector<16xi32>
      %and3A_198 = arith.constant 127 : i32
      %and3A_199 = vector.broadcast %and3A_198 : i32 to vector<16xi32>
      %and3A_200 = arith.andi %get3A_194, %and3A_199 : vector<16xi32>
      tpu.vector_store_idx %arg9[%shift_right_logical3A_197, %and3A_200], %broadcast_in_dim3A_3 {add = true} : memref<80x128xf32, #tpu.memory_space<vmem>>[vector<16xi32>, vector<16xi32>], vector<16xf32>,
      %get3A_201 = arith.index_cast %add3A_164 : i32 to index
      %get3A_202 = arith.constant 64 : index
      %get3A_203 = tpu.vector_load %arg6[%get3A_201, %get3A_202] {strides = array<i32>} : memref<40x128xi32, #tpu.memory_space<vmem>>, vector<16xi32>,
      %shift_right_logical3A_204 = arith.constant 7 : i32
      %shift_right_logical3A_205 = vector.broadcast %shift_right_logical3A_204 : i32 to vector<16xi32>
      %shift_right_logical3A_206 = arith.shrui %get3A_203, %shift_right_logical3A_205 : vector<16xi32>
      %and3A_207 = arith.constant 127 : i32
      %and3A_208 = vector.broadcast %and3A_207 : i32 to vector<16xi32>
      %and3A_209 = arith.andi %get3A_203, %and3A_208 : vector<16xi32>
      tpu.vector_store_idx %arg9[%shift_right_logical3A_206, %and3A_209], %broadcast_in_dim3A_3 {add = true} : memref<80x128xf32, #tpu.memory_space<vmem>>[vector<16xi32>, vector<16xi32>], vector<16xf32>,
      %get3A_210 = arith.index_cast %add3A_164 : i32 to index
      %get3A_211 = arith.constant 80 : index
      %get3A_212 = tpu.vector_load %arg6[%get3A_210, %get3A_211] {strides = array<i32>} : memref<40x128xi32, #tpu.memory_space<vmem>>, vector<16xi32>,
      %shift_right_logical3A_213 = arith.constant 7 : i32
      %shift_right_logical3A_214 = vector.broadcast %shift_right_logical3A_213 : i32 to vector<16xi32>
      %shift_right_logical3A_215 = arith.shrui %get3A_212, %shift_right_logical3A_214 : vector<16xi32>
      %and3A_216 = arith.constant 127 : i32
      %and3A_217 = vector.broadcast %and3A_216 : i32 to vector<16xi32>
      %and3A_218 = arith.andi %get3A_212, %and3A_217 : vector<16xi32>
      tpu.vector_store_idx %arg9[%shift_right_logical3A_215, %and3A_218], %broadcast_in_dim3A_3 {add = true} : memref<80x128xf32, #tpu.memory_space<vmem>>[vector<16xi32>, vector<16xi32>], vector<16xf32>,
      %get3A_219 = arith.index_cast %add3A_164 : i32 to index
      %get3A_220 = arith.constant 96 : index
      %get3A_221 = tpu.vector_load %arg6[%get3A_219, %get3A_220] {strides = array<i32>} : memref<40x128xi32, #tpu.memory_space<vmem>>, vector<16xi32>,
      %shift_right_logical3A_222 = arith.constant 7 : i32
      %shift_right_logical3A_223 = vector.broadcast %shift_right_logical3A_222 : i32 to vector<16xi32>
      %shift_right_logical3A_224 = arith.shrui %get3A_221, %shift_right_logical3A_223 : vector<16xi32>
      %and3A_225 = arith.constant 127 : i32
      %and3A_226 = vector.broadcast %and3A_225 : i32 to vector<16xi32>
      %and3A_227 = arith.andi %get3A_221, %and3A_226 : vector<16xi32>
      tpu.vector_store_idx %arg9[%shift_right_logical3A_224, %and3A_227], %broadcast_in_dim3A_3 {add = true} : memref<80x128xf32, #tpu.memory_space<vmem>>[vector<16xi32>, vector<16xi32>], vector<16xf32>,
      %get3A_228 = arith.index_cast %add3A_164 : i32 to index
      %get3A_229 = arith.constant 112 : index
      %get3A_230 = tpu.vector_load %arg6[%get3A_228, %get3A_229] {strides = array<i32>} : memref<40x128xi32, #tpu.memory_space<vmem>>, vector<16xi32>,
      %shift_right_logical3A_231 = arith.constant 7 : i32
      %shift_right_logical3A_232 = vector.broadcast %shift_right_logical3A_231 : i32 to vector<16xi32>
      %shift_right_logical3A_233 = arith.shrui %get3A_230, %shift_right_logical3A_232 : vector<16xi32>
      %and3A_234 = arith.constant 127 : i32
      %and3A_235 = vector.broadcast %and3A_234 : i32 to vector<16xi32>
      %and3A_236 = arith.andi %get3A_230, %and3A_235 : vector<16xi32>
      tpu.vector_store_idx %arg9[%shift_right_logical3A_233, %and3A_236], %broadcast_in_dim3A_3 {add = true} : memref<80x128xf32, #tpu.memory_space<vmem>>[vector<16xi32>, vector<16xi32>], vector<16xf32>,
      %dma_wait3A_237 = arith.constant 0 : i32
      %dma_wait3A_238 = tpu.memref_slice %arg6[%mul3A_64, %dma_wait3A_237] : memref<40x128xi32, #tpu.memory_space<vmem>> -> memref<1x128xi32, #tpu.memory_space<vmem>>
      %dma_wait3A_239 = tpu.memref_squeeze %dma_wait3A_238 : memref<1x128xi32, #tpu.memory_space<vmem>> -> memref<128xi32, #tpu.memory_space<vmem>>
      %dma_wait3A_240 = arith.constant 0 : i32
      %dma_wait3A_241 = arith.constant 0 : i32
      %dma_wait3A_242 = tpu.memref_slice %arg10[%dma_wait3A_240, %dma_wait3A_241] : memref<10240x128xf32, #tpu.memory_space<vmem_shared>> -> memref<10240x128xf32, #tpu.memory_space<vmem_shared>>
      tpu.wait_indirect_dma semaphore(%arg14 : memref<!tpu.dma_semaphore, #tpu.memory_space<semaphore_mem>>) src(%arg7 : memref<128x128xf32, #tpu.memory_space<vmem>>) dst(%dma_wait3A_242 : memref<10240x128xf32, #tpu.memory_space<vmem_shared>>)
      %add3A_243 = arith.constant 5 : i32
      %add3A_244 = arith.addi %mul3A_64, %add3A_243 : i32
      %lt3A_245 = arith.constant 40 : i32
      %lt3A_246 = arith.cmpi slt, %add3A_244, %lt3A_245 : i32
      %convert_element_type3A_247 = arith.extui %lt3A_246 : i1 to i32
      %cond3A_248 = arith.constant 0 : i32
      %cond3A_249 = arith.cmpi ne, %convert_element_type3A_247, %cond3A_248 : i32
      scf.if %cond3A_249 {
        %add3A_263 = arith.constant 5 : i32
        %add3A_264 = arith.addi %mul3A_64, %add3A_263 : i32
        %dma_start3A_265 = arith.constant 0 : i32
        %dma_start3A_266 = tpu.memref_slice %arg6[%add3A_264, %dma_start3A_265] : memref<40x128xi32, #tpu.memory_space<vmem>> -> memref<1x128xi32, #tpu.memory_space<vmem>>
        %dma_start3A_267 = tpu.memref_squeeze %dma_start3A_266 : memref<1x128xi32, #tpu.memory_space<vmem>> -> memref<128xi32, #tpu.memory_space<vmem>>
        %dma_start3A_268 = arith.constant 0 : i32
        %dma_start3A_269 = arith.constant 0 : i32
        %dma_start3A_270 = tpu.memref_slice %arg3[%dma_start3A_268, %dma_start3A_269] : memref<10000x128xf32, #tpu.memory_space<hbm>> -> memref<10000x128xf32, #tpu.memory_space<hbm>>
        tpu.enqueue_indirect_dma source(%dma_start3A_270 : memref<10000x128xf32, #tpu.memory_space<hbm>>) target(%arg7 : memref<128x128xf32, #tpu.memory_space<vmem>>) offsets(%dma_start3A_267 : memref<128xi32, #tpu.memory_space<vmem>>) semaphore(%arg12 : memref<!tpu.dma_semaphore, #tpu.memory_space<semaphore_mem>>)
      } else {
      }
      %dma_wait3A_250 = arith.constant 0 : i32
      %dma_wait3A_251 = tpu.memref_slice %arg6[%add3A_156, %dma_wait3A_250] : memref<40x128xi32, #tpu.memory_space<vmem>> -> memref<1x128xi32, #tpu.memory_space<vmem>>
      %dma_wait3A_252 = tpu.memref_squeeze %dma_wait3A_251 : memref<1x128xi32, #tpu.memory_space<vmem>> -> memref<128xi32, #tpu.memory_space<vmem>>
      %dma_wait3A_253 = arith.constant 0 : i32
      %dma_wait3A_254 = arith.constant 0 : i32
      %dma_wait3A_255 = tpu.memref_slice %arg10[%dma_wait3A_253, %dma_wait3A_254] : memref<10240x128xf32, #tpu.memory_space<vmem_shared>> -> memref<10240x128xf32, #tpu.memory_space<vmem_shared>>
      tpu.wait_indirect_dma semaphore(%arg15 : memref<!tpu.dma_semaphore, #tpu.memory_space<semaphore_mem>>) src(%arg8 : memref<128x128xf32, #tpu.memory_space<vmem>>) dst(%dma_wait3A_255 : memref<10240x128xf32, #tpu.memory_space<vmem_shared>>)
      %add3A_256 = arith.constant 7 : i32
      %add3A_257 = arith.addi %mul3A_64, %add3A_256 : i32
      %lt3A_258 = arith.constant 40 : i32
      %lt3A_259 = arith.cmpi slt, %add3A_257, %lt3A_258 : i32
      %convert_element_type3A_260 = arith.extui %lt3A_259 : i1 to i32
      %cond3A_261 = arith.constant 0 : i32
      %cond3A_262 = arith.cmpi ne, %convert_element_type3A_260, %cond3A_261 : i32
      scf.if %cond3A_262 {
        %add3A_263 = arith.constant 7 : i32
        %add3A_264 = arith.addi %mul3A_64, %add3A_263 : i32
        %dma_start3A_265 = arith.constant 0 : i32
        %dma_start3A_266 = tpu.memref_slice %arg6[%add3A_264, %dma_start3A_265] : memref<40x128xi32, #tpu.memory_space<vmem>> -> memref<1x128xi32, #tpu.memory_space<vmem>>
        %dma_start3A_267 = tpu.memref_squeeze %dma_start3A_266 : memref<1x128xi32, #tpu.memory_space<vmem>> -> memref<128xi32, #tpu.memory_space<vmem>>
        %dma_start3A_268 = arith.constant 0 : i32
        %dma_start3A_269 = arith.constant 0 : i32
        %dma_start3A_270 = tpu.memref_slice %arg3[%dma_start3A_268, %dma_start3A_269] : memref<10000x128xf32, #tpu.memory_space<hbm>> -> memref<10000x128xf32, #tpu.memory_space<hbm>>
        tpu.enqueue_indirect_dma source(%dma_start3A_270 : memref<10000x128xf32, #tpu.memory_space<hbm>>) target(%arg8 : memref<128x128xf32, #tpu.memory_space<vmem>>) offsets(%dma_start3A_267 : memref<128xi32, #tpu.memory_space<vmem>>) semaphore(%arg13 : memref<!tpu.dma_semaphore, #tpu.memory_space<semaphore_mem>>)
      } else {
      }
    }
    %scan3A_41 = arith.constant 10 : i32
    %add3A = arith.constant 0 : i32
    %add3A_42 = vector.broadcast %add3A : i32 to vector<16xi32>
    %add3A_43 = arith.addi %iota3A, %add3A_42 : vector<16xi32>
    "tpu.region"() ({
      %run_scoped3A = tpu.sem_alloc : memref<!tpu.dma_semaphore, #tpu.memory_space<semaphore_mem>>
      %dma_start3A_62 = arith.constant 0 : i32
      %dma_start3A_63 = arith.constant 0 : i32
      %dma_start3A_64 = tpu.memref_slice %arg9[%dma_start3A_62, %dma_start3A_63] : memref<80x128xf32, #tpu.memory_space<vmem>> -> memref<16x128xf32, #tpu.memory_space<vmem>>
      %dma_start3A_65 = arith.constant 0 : i32
      %dma_start3A_66 = arith.constant 0 : i32
      %dma_start3A_67 = tpu.memref_slice %arg11[%dma_start3A_65, %dma_start3A_66] : memref<80x128xf32, #tpu.memory_space<vmem_shared>> -> memref<80x128xf32, #tpu.memory_space<vmem_shared>>
      tpu.enqueue_indirect_dma source(%dma_start3A_64 : memref<16x128xf32, #tpu.memory_space<vmem>>) target(%dma_start3A_67 : memref<80x128xf32, #tpu.memory_space<vmem_shared>>) offsets(%add3A_43 : vector<16xi32>) semaphore(%run_scoped3A : memref<!tpu.dma_semaphore, #tpu.memory_space<semaphore_mem>>) {add = true}
      %dma_wait3A = arith.constant 0 : i32
      %dma_wait3A_68 = arith.constant 0 : i32
      %dma_wait3A_69 = tpu.memref_slice %arg9[%dma_wait3A, %dma_wait3A_68] : memref<80x128xf32, #tpu.memory_space<vmem>> -> memref<16x128xf32, #tpu.memory_space<vmem>>
      %dma_wait3A_70 = arith.constant 0 : i32
      %dma_wait3A_71 = arith.constant 0 : i32
      %dma_wait3A_72 = tpu.memref_slice %arg11[%dma_wait3A_70, %dma_wait3A_71] : memref<80x128xf32, #tpu.memory_space<vmem_shared>> -> memref<80x128xf32, #tpu.memory_space<vmem_shared>>
      tpu.wait_indirect_dma semaphore(%run_scoped3A : memref<!tpu.dma_semaphore, #tpu.memory_space<semaphore_mem>>) src(%dma_wait3A_69 : memref<16x128xf32, #tpu.memory_space<vmem>>) dst(%dma_wait3A_72 : memref<80x128xf32, #tpu.memory_space<vmem_shared>>)
      tpu.yield
    }) : () -> ()
    %add3A_44 = arith.constant 16 : i32
    %add3A_45 = vector.broadcast %add3A_44 : i32 to vector<16xi32>
    %add3A_46 = arith.addi %iota3A, %add3A_45 : vector<16xi32>
    "tpu.region"() ({
      %run_scoped3A = tpu.sem_alloc : memref<!tpu.dma_semaphore, #tpu.memory_space<semaphore_mem>>
      %dma_start3A_62 = arith.constant 16 : i32
      %dma_start3A_63 = arith.constant 0 : i32
      %dma_start3A_64 = tpu.memref_slice %arg9[%dma_start3A_62, %dma_start3A_63] : memref<80x128xf32, #tpu.memory_space<vmem>> -> memref<16x128xf32, #tpu.memory_space<vmem>>
      %dma_start3A_65 = arith.constant 0 : i32
      %dma_start3A_66 = arith.constant 0 : i32
      %dma_start3A_67 = tpu.memref_slice %arg11[%dma_start3A_65, %dma_start3A_66] : memref<80x128xf32, #tpu.memory_space<vmem_shared>> -> memref<80x128xf32, #tpu.memory_space<vmem_shared>>
      tpu.enqueue_indirect_dma source(%dma_start3A_64 : memref<16x128xf32, #tpu.memory_space<vmem>>) target(%dma_start3A_67 : memref<80x128xf32, #tpu.memory_space<vmem_shared>>) offsets(%add3A_46 : vector<16xi32>) semaphore(%run_scoped3A : memref<!tpu.dma_semaphore, #tpu.memory_space<semaphore_mem>>) {add = true}
      %dma_wait3A = arith.constant 16 : i32
      %dma_wait3A_68 = arith.constant 0 : i32
      %dma_wait3A_69 = tpu.memref_slice %arg9[%dma_wait3A, %dma_wait3A_68] : memref<80x128xf32, #tpu.memory_space<vmem>> -> memref<16x128xf32, #tpu.memory_space<vmem>>
      %dma_wait3A_70 = arith.constant 0 : i32
      %dma_wait3A_71 = arith.constant 0 : i32
      %dma_wait3A_72 = tpu.memref_slice %arg11[%dma_wait3A_70, %dma_wait3A_71] : memref<80x128xf32, #tpu.memory_space<vmem_shared>> -> memref<80x128xf32, #tpu.memory_space<vmem_shared>>
      tpu.wait_indirect_dma semaphore(%run_scoped3A : memref<!tpu.dma_semaphore, #tpu.memory_space<semaphore_mem>>) src(%dma_wait3A_69 : memref<16x128xf32, #tpu.memory_space<vmem>>) dst(%dma_wait3A_72 : memref<80x128xf32, #tpu.memory_space<vmem_shared>>)
      tpu.yield
    }) : () -> ()
    %add3A_47 = arith.constant 32 : i32
    %add3A_48 = vector.broadcast %add3A_47 : i32 to vector<16xi32>
    %add3A_49 = arith.addi %iota3A, %add3A_48 : vector<16xi32>
    "tpu.region"() ({
      %run_scoped3A = tpu.sem_alloc : memref<!tpu.dma_semaphore, #tpu.memory_space<semaphore_mem>>
      %dma_start3A_62 = arith.constant 32 : i32
      %dma_start3A_63 = arith.constant 0 : i32
      %dma_start3A_64 = tpu.memref_slice %arg9[%dma_start3A_62, %dma_start3A_63] : memref<80x128xf32, #tpu.memory_space<vmem>> -> memref<16x128xf32, #tpu.memory_space<vmem>>
      %dma_start3A_65 = arith.constant 0 : i32
      %dma_start3A_66 = arith.constant 0 : i32
      %dma_start3A_67 = tpu.memref_slice %arg11[%dma_start3A_65, %dma_start3A_66] : memref<80x128xf32, #tpu.memory_space<vmem_shared>> -> memref<80x128xf32, #tpu.memory_space<vmem_shared>>
      tpu.enqueue_indirect_dma source(%dma_start3A_64 : memref<16x128xf32, #tpu.memory_space<vmem>>) target(%dma_start3A_67 : memref<80x128xf32, #tpu.memory_space<vmem_shared>>) offsets(%add3A_49 : vector<16xi32>) semaphore(%run_scoped3A : memref<!tpu.dma_semaphore, #tpu.memory_space<semaphore_mem>>) {add = true}
      %dma_wait3A = arith.constant 32 : i32
      %dma_wait3A_68 = arith.constant 0 : i32
      %dma_wait3A_69 = tpu.memref_slice %arg9[%dma_wait3A, %dma_wait3A_68] : memref<80x128xf32, #tpu.memory_space<vmem>> -> memref<16x128xf32, #tpu.memory_space<vmem>>
      %dma_wait3A_70 = arith.constant 0 : i32
      %dma_wait3A_71 = arith.constant 0 : i32
      %dma_wait3A_72 = tpu.memref_slice %arg11[%dma_wait3A_70, %dma_wait3A_71] : memref<80x128xf32, #tpu.memory_space<vmem_shared>> -> memref<80x128xf32, #tpu.memory_space<vmem_shared>>
      tpu.wait_indirect_dma semaphore(%run_scoped3A : memref<!tpu.dma_semaphore, #tpu.memory_space<semaphore_mem>>) src(%dma_wait3A_69 : memref<16x128xf32, #tpu.memory_space<vmem>>) dst(%dma_wait3A_72 : memref<80x128xf32, #tpu.memory_space<vmem_shared>>)
      tpu.yield
    }) : () -> ()
    %add3A_50 = arith.constant 48 : i32
    %add3A_51 = vector.broadcast %add3A_50 : i32 to vector<16xi32>
    %add3A_52 = arith.addi %iota3A, %add3A_51 : vector<16xi32>
    "tpu.region"() ({
      %run_scoped3A = tpu.sem_alloc : memref<!tpu.dma_semaphore, #tpu.memory_space<semaphore_mem>>
      %dma_start3A_62 = arith.constant 48 : i32
      %dma_start3A_63 = arith.constant 0 : i32
      %dma_start3A_64 = tpu.memref_slice %arg9[%dma_start3A_62, %dma_start3A_63] : memref<80x128xf32, #tpu.memory_space<vmem>> -> memref<16x128xf32, #tpu.memory_space<vmem>>
      %dma_start3A_65 = arith.constant 0 : i32
      %dma_start3A_66 = arith.constant 0 : i32
      %dma_start3A_67 = tpu.memref_slice %arg11[%dma_start3A_65, %dma_start3A_66] : memref<80x128xf32, #tpu.memory_space<vmem_shared>> -> memref<80x128xf32, #tpu.memory_space<vmem_shared>>
      tpu.enqueue_indirect_dma source(%dma_start3A_64 : memref<16x128xf32, #tpu.memory_space<vmem>>) target(%dma_start3A_67 : memref<80x128xf32, #tpu.memory_space<vmem_shared>>) offsets(%add3A_52 : vector<16xi32>) semaphore(%run_scoped3A : memref<!tpu.dma_semaphore, #tpu.memory_space<semaphore_mem>>) {add = true}
      %dma_wait3A = arith.constant 48 : i32
      %dma_wait3A_68 = arith.constant 0 : i32
      %dma_wait3A_69 = tpu.memref_slice %arg9[%dma_wait3A, %dma_wait3A_68] : memref<80x128xf32, #tpu.memory_space<vmem>> -> memref<16x128xf32, #tpu.memory_space<vmem>>
      %dma_wait3A_70 = arith.constant 0 : i32
      %dma_wait3A_71 = arith.constant 0 : i32
      %dma_wait3A_72 = tpu.memref_slice %arg11[%dma_wait3A_70, %dma_wait3A_71] : memref<80x128xf32, #tpu.memory_space<vmem_shared>> -> memref<80x128xf32, #tpu.memory_space<vmem_shared>>
      tpu.wait_indirect_dma semaphore(%run_scoped3A : memref<!tpu.dma_semaphore, #tpu.memory_space<semaphore_mem>>) src(%dma_wait3A_69 : memref<16x128xf32, #tpu.memory_space<vmem>>) dst(%dma_wait3A_72 : memref<80x128xf32, #tpu.memory_space<vmem_shared>>)
      tpu.yield
    }) : () -> ()
    %add3A_53 = arith.constant 64 : i32
    %add3A_54 = vector.broadcast %add3A_53 : i32 to vector<16xi32>
    %add3A_55 = arith.addi %iota3A, %add3A_54 : vector<16xi32>
    "tpu.region"() ({
      %run_scoped3A = tpu.sem_alloc : memref<!tpu.dma_semaphore, #tpu.memory_space<semaphore_mem>>
      %dma_start3A_62 = arith.constant 64 : i32
      %dma_start3A_63 = arith.constant 0 : i32
      %dma_start3A_64 = tpu.memref_slice %arg9[%dma_start3A_62, %dma_start3A_63] : memref<80x128xf32, #tpu.memory_space<vmem>> -> memref<16x128xf32, #tpu.memory_space<vmem>>
      %dma_start3A_65 = arith.constant 0 : i32
      %dma_start3A_66 = arith.constant 0 : i32
      %dma_start3A_67 = tpu.memref_slice %arg11[%dma_start3A_65, %dma_start3A_66] : memref<80x128xf32, #tpu.memory_space<vmem_shared>> -> memref<80x128xf32, #tpu.memory_space<vmem_shared>>
      tpu.enqueue_indirect_dma source(%dma_start3A_64 : memref<16x128xf32, #tpu.memory_space<vmem>>) target(%dma_start3A_67 : memref<80x128xf32, #tpu.memory_space<vmem_shared>>) offsets(%add3A_55 : vector<16xi32>) semaphore(%run_scoped3A : memref<!tpu.dma_semaphore, #tpu.memory_space<semaphore_mem>>) {add = true}
      %dma_wait3A = arith.constant 64 : i32
      %dma_wait3A_68 = arith.constant 0 : i32
      %dma_wait3A_69 = tpu.memref_slice %arg9[%dma_wait3A, %dma_wait3A_68] : memref<80x128xf32, #tpu.memory_space<vmem>> -> memref<16x128xf32, #tpu.memory_space<vmem>>
      %dma_wait3A_70 = arith.constant 0 : i32
      %dma_wait3A_71 = arith.constant 0 : i32
      %dma_wait3A_72 = tpu.memref_slice %arg11[%dma_wait3A_70, %dma_wait3A_71] : memref<80x128xf32, #tpu.memory_space<vmem_shared>> -> memref<80x128xf32, #tpu.memory_space<vmem_shared>>
      tpu.wait_indirect_dma semaphore(%run_scoped3A : memref<!tpu.dma_semaphore, #tpu.memory_space<semaphore_mem>>) src(%dma_wait3A_69 : memref<16x128xf32, #tpu.memory_space<vmem>>) dst(%dma_wait3A_72 : memref<80x128xf32, #tpu.memory_space<vmem_shared>>)
      tpu.yield
    }) : () -> ()
    %barrier3A_56 = arith.constant 0 : index
    tpu.barrier barrier_id(%barrier3A_56)
    "tpu.region"() ({
      %run_scoped3A = tpu.sem_alloc : memref<!tpu.dma_semaphore, #tpu.memory_space<semaphore_mem>>
      %dma_start3A_62 = arith.constant 0 : i32
      %dma_start3A_63 = tpu.memref_slice %arg4[%arg0, %mul3A_0, %dma_start3A_62] : memref<2x10240x128xf32, #tpu.memory_space<hbm>> -> memref<1x640x128xf32, #tpu.memory_space<hbm>>
      %dma_start3A_64 = tpu.memref_squeeze %dma_start3A_63 : memref<1x640x128xf32, #tpu.memory_space<hbm>> -> memref<640x128xf32, #tpu.memory_space<hbm>>
      %dma_start3A_65 = arith.constant 0 : i32
      %dma_start3A_66 = tpu.memref_slice %arg10[%mul3A_0, %dma_start3A_65] : memref<10240x128xf32, #tpu.memory_space<vmem_shared>> -> memref<640x128xf32, #tpu.memory_space<vmem_shared>>
      tpu.enqueue_dma source(%dma_start3A_66 : memref<640x128xf32, #tpu.memory_space<vmem_shared>>) target(%dma_start3A_64 : memref<640x128xf32, #tpu.memory_space<hbm>>) target_semaphore(%run_scoped3A : memref<!tpu.dma_semaphore, #tpu.memory_space<semaphore_mem>>)
      %dma_wait3A = arith.constant 0 : i32
      %dma_wait3A_67 = tpu.memref_slice %arg4[%arg0, %mul3A_0, %dma_wait3A] : memref<2x10240x128xf32, #tpu.memory_space<hbm>> -> memref<1x640x128xf32, #tpu.memory_space<hbm>>
      %dma_wait3A_68 = tpu.memref_squeeze %dma_wait3A_67 : memref<1x640x128xf32, #tpu.memory_space<hbm>> -> memref<640x128xf32, #tpu.memory_space<hbm>>
      %dma_wait3A_69 = arith.constant 0 : i32
      %dma_wait3A_70 = tpu.memref_slice %arg10[%mul3A_0, %dma_wait3A_69] : memref<10240x128xf32, #tpu.memory_space<vmem_shared>> -> memref<640x128xf32, #tpu.memory_space<vmem_shared>>
      tpu.wait_dma2 semaphore(%run_scoped3A : memref<!tpu.dma_semaphore, #tpu.memory_space<semaphore_mem>>) src(%dma_wait3A_70 : memref<640x128xf32, #tpu.memory_space<vmem_shared>>) dst(%dma_wait3A_68 : memref<640x128xf32, #tpu.memory_space<hbm>>)
      tpu.yield
    }) : () -> ()
    %lt3A_57 = arith.constant 10 : i32
    %lt3A_58 = arith.cmpi slt, %arg1, %lt3A_57 : i32
    %convert_element_type3A_59 = arith.extui %lt3A_58 : i1 to i32
    %cond3A_60 = arith.constant 0 : i32
    %cond3A_61 = arith.cmpi ne, %convert_element_type3A_59, %cond3A_60 : i32
    scf.if %cond3A_61 {
      %mul3A_62 = arith.constant 8 : i32
      %mul3A_63 = arith.muli %arg1, %mul3A_62 : i32
      %mul3A_64 = arith.constant 8 : i32
      %mul3A_65 = arith.muli %arg1, %mul3A_64 : i32
      "tpu.region"() ({
        %run_scoped3A = tpu.sem_alloc : memref<!tpu.dma_semaphore, #tpu.memory_space<semaphore_mem>>
        %dma_start3A_66 = arith.constant 0 : i32
        %dma_start3A_67 = tpu.memref_slice %arg5[%arg0, %mul3A_65, %dma_start3A_66] : memref<2x80x128xf32, #tpu.memory_space<hbm>> -> memref<1x8x128xf32, #tpu.memory_space<hbm>>
        %dma_start3A_68 = tpu.memref_squeeze %dma_start3A_67 : memref<1x8x128xf32, #tpu.memory_space<hbm>> -> memref<8x128xf32, #tpu.memory_space<hbm>>
        %dma_start3A_69 = arith.constant 0 : i32
        %dma_start3A_70 = tpu.memref_slice %arg11[%mul3A_63, %dma_start3A_69] : memref<80x128xf32, #tpu.memory_space<vmem_shared>> -> memref<8x128xf32, #tpu.memory_space<vmem_shared>>
        tpu.enqueue_dma source(%dma_start3A_70 : memref<8x128xf32, #tpu.memory_space<vmem_shared>>) target(%dma_start3A_68 : memref<8x128xf32, #tpu.memory_space<hbm>>) target_semaphore(%run_scoped3A : memref<!tpu.dma_semaphore, #tpu.memory_space<semaphore_mem>>)
        %dma_wait3A = arith.constant 0 : i32
        %dma_wait3A_71 = tpu.memref_slice %arg5[%arg0, %mul3A_65, %dma_wait3A] : memref<2x80x128xf32, #tpu.memory_space<hbm>> -> memref<1x8x128xf32, #tpu.memory_space<hbm>>
        %dma_wait3A_72 = tpu.memref_squeeze %dma_wait3A_71 : memref<1x8x128xf32, #tpu.memory_space<hbm>> -> memref<8x128xf32, #tpu.memory_space<hbm>>
        %dma_wait3A_73 = arith.constant 0 : i32
        %dma_wait3A_74 = tpu.memref_slice %arg11[%mul3A_63, %dma_wait3A_73] : memref<80x128xf32, #tpu.memory_space<vmem_shared>> -> memref<8x128xf32, #tpu.memory_space<vmem_shared>>
        tpu.wait_dma2 semaphore(%run_scoped3A : memref<!tpu.dma_semaphore, #tpu.memory_space<semaphore_mem>>) src(%dma_wait3A_74 : memref<8x128xf32, #tpu.memory_space<vmem_shared>>) dst(%dma_wait3A_72 : memref<8x128xf32, #tpu.memory_space<hbm>>)
        tpu.yield
      }) : () -> ()
    } else {
    }
    return
  }
}

module attributes {stable_mosaic.version = 14 : i64} {
  func.func @_tc_body(%arg0: i32, %arg1: memref<2x1024x128xf32, #tpu.memory_space<vmem>>, %arg2: memref<2x8x128xf32, #tpu.memory_space<vmem>>, %arg3: memref<128x128xf32, #tpu.memory_space<vmem>>, %arg4: memref<128x128xf32, #tpu.memory_space<vmem>>, %arg5: memref<128x128xf32, #tpu.memory_space<vmem>>, %arg6: memref<128x128xf32, #tpu.memory_space<vmem>>, %arg7: memref<1x128xf32, #tpu.memory_space<vmem>>, %arg8: memref<1x128xf32, #tpu.memory_space<vmem>>, %arg9: memref<1x128xf32, #tpu.memory_space<vmem>>, %arg10: memref<1024x128xf32, #tpu.memory_space<vmem>>) attributes {dimension_semantics = [#tpu.dimension_semantics<arbitrary>], iteration_bounds = array<i64: 10>, scalar_prefetch = 0 : i64, scratch_operands = 0 : i64, tpu.core_type = #tpu.core_type<tc>, window_params = [{transform_indices = @transform_0, window_bounds = array<i64: 2, 1024, 128>}, {transform_indices = @transform_1, window_bounds = array<i64: 2, 8, 128>}, {pipeline_mode = #tpu.pipeline_mode<synchronous>, transform_indices = @transform_2, window_bounds = array<i64: 128, 128>}, {pipeline_mode = #tpu.pipeline_mode<synchronous>, transform_indices = @transform_3, window_bounds = array<i64: 128, 128>}, {pipeline_mode = #tpu.pipeline_mode<synchronous>, transform_indices = @transform_4, window_bounds = array<i64: 128, 128>}, {pipeline_mode = #tpu.pipeline_mode<synchronous>, transform_indices = @transform_5, window_bounds = array<i64: 128, 128>}, {pipeline_mode = #tpu.pipeline_mode<synchronous>, transform_indices = @transform_6, window_bounds = array<i64: 1, 128>}, {pipeline_mode = #tpu.pipeline_mode<synchronous>, transform_indices = @transform_7, window_bounds = array<i64: 1, 128>}, {pipeline_mode = #tpu.pipeline_mode<synchronous>, transform_indices = @transform_8, window_bounds = array<i64: 1, 128>}, {transform_indices = @transform_9, window_bounds = array<i64: 1024, 128>}]} {
    %get3A = arith.constant 0 : index
    %get3A_0 = arith.constant 0 : index
    %get3A_1 = arith.constant 0 : index
    %get3A_2 = vector.load %arg1[%get3A, %get3A_0, %get3A_1] : memref<2x1024x128xf32, #tpu.memory_space<vmem>>, vector<1x1024x128xf32>
    %get3A_3 = vector.shape_cast %get3A_2 : vector<1x1024x128xf32> to vector<1024x128xf32>
    %get3A_4 = arith.constant 1 : index
    %get3A_5 = arith.constant 0 : index
    %get3A_6 = arith.constant 0 : index
    %get3A_7 = vector.load %arg1[%get3A_4, %get3A_5, %get3A_6] : memref<2x1024x128xf32, #tpu.memory_space<vmem>>, vector<1x1024x128xf32>
    %get3A_8 = vector.shape_cast %get3A_7 : vector<1x1024x128xf32> to vector<1024x128xf32>
    %get3A_9 = arith.constant 0 : index
    %get3A_10 = arith.constant 0 : index
    %get3A_11 = arith.constant 0 : index
    %get3A_12 = vector.load %arg2[%get3A_9, %get3A_10, %get3A_11] : memref<2x8x128xf32, #tpu.memory_space<vmem>>, vector<1x8x128xf32>
    %get3A_13 = vector.shape_cast %get3A_12 : vector<1x8x128xf32> to vector<8x128xf32>
    %transpose3A = tpu.transpose %get3A_13, [1, 0] : vector<8x128xf32> -> vector<128x8xf32>
    %slice3A = vector.extract_strided_slice %transpose3A {offsets = [0, 0], sizes = [128, 1], strides = [1, 1]} : vector<128x8xf32> to vector<128x1xf32>
    %slice3A_14 = vector.extract_strided_slice %transpose3A {offsets = [0, 1], sizes = [128, 1], strides = [1, 1]} : vector<128x8xf32> to vector<128x1xf32>
    %slice3A_15 = vector.extract_strided_slice %transpose3A {offsets = [0, 2], sizes = [128, 1], strides = [1, 1]} : vector<128x8xf32> to vector<128x1xf32>
    %slice3A_16 = vector.extract_strided_slice %transpose3A {offsets = [0, 3], sizes = [128, 1], strides = [1, 1]} : vector<128x8xf32> to vector<128x1xf32>
    %slice3A_17 = vector.extract_strided_slice %transpose3A {offsets = [0, 4], sizes = [128, 1], strides = [1, 1]} : vector<128x8xf32> to vector<128x1xf32>
    %slice3A_18 = vector.extract_strided_slice %transpose3A {offsets = [0, 5], sizes = [128, 1], strides = [1, 1]} : vector<128x8xf32> to vector<128x1xf32>
    %slice3A_19 = vector.extract_strided_slice %transpose3A {offsets = [0, 6], sizes = [128, 1], strides = [1, 1]} : vector<128x8xf32> to vector<128x1xf32>
    %slice3A_20 = vector.extract_strided_slice %transpose3A {offsets = [0, 7], sizes = [128, 1], strides = [1, 1]} : vector<128x8xf32> to vector<128x1xf32>
    %concatenate3A = tpu.concatenate %slice3A, %slice3A_14, %slice3A_15, %slice3A_16, %slice3A_17, %slice3A_18, %slice3A_19, %slice3A_20 in 0 : vector<128x1xf32>, vector<128x1xf32>, vector<128x1xf32>, vector<128x1xf32>, vector<128x1xf32>, vector<128x1xf32>, vector<128x1xf32>, vector<128x1xf32> -> vector<1024x1xf32>
    %add3A = arith.constant 9.99999997E-7 : f32
    %add3A_21 = vector.broadcast %add3A : f32 to vector<1024x1xf32>
    %add3A_22 = arith.addf %concatenate3A, %add3A_21 : vector<1024x1xf32>
    %get3A_23 = arith.constant 1 : index
    %get3A_24 = arith.constant 0 : index
    %get3A_25 = arith.constant 0 : index
    %get3A_26 = vector.load %arg2[%get3A_23, %get3A_24, %get3A_25] : memref<2x8x128xf32, #tpu.memory_space<vmem>>, vector<1x8x128xf32>
    %get3A_27 = vector.shape_cast %get3A_26 : vector<1x8x128xf32> to vector<8x128xf32>
    %transpose3A_28 = tpu.transpose %get3A_27, [1, 0] : vector<8x128xf32> -> vector<128x8xf32>
    %slice3A_29 = vector.extract_strided_slice %transpose3A_28 {offsets = [0, 0], sizes = [128, 1], strides = [1, 1]} : vector<128x8xf32> to vector<128x1xf32>
    %slice3A_30 = vector.extract_strided_slice %transpose3A_28 {offsets = [0, 1], sizes = [128, 1], strides = [1, 1]} : vector<128x8xf32> to vector<128x1xf32>
    %slice3A_31 = vector.extract_strided_slice %transpose3A_28 {offsets = [0, 2], sizes = [128, 1], strides = [1, 1]} : vector<128x8xf32> to vector<128x1xf32>
    %slice3A_32 = vector.extract_strided_slice %transpose3A_28 {offsets = [0, 3], sizes = [128, 1], strides = [1, 1]} : vector<128x8xf32> to vector<128x1xf32>
    %slice3A_33 = vector.extract_strided_slice %transpose3A_28 {offsets = [0, 4], sizes = [128, 1], strides = [1, 1]} : vector<128x8xf32> to vector<128x1xf32>
    %slice3A_34 = vector.extract_strided_slice %transpose3A_28 {offsets = [0, 5], sizes = [128, 1], strides = [1, 1]} : vector<128x8xf32> to vector<128x1xf32>
    %slice3A_35 = vector.extract_strided_slice %transpose3A_28 {offsets = [0, 6], sizes = [128, 1], strides = [1, 1]} : vector<128x8xf32> to vector<128x1xf32>
    %slice3A_36 = vector.extract_strided_slice %transpose3A_28 {offsets = [0, 7], sizes = [128, 1], strides = [1, 1]} : vector<128x8xf32> to vector<128x1xf32>
    %concatenate3A_37 = tpu.concatenate %slice3A_29, %slice3A_30, %slice3A_31, %slice3A_32, %slice3A_33, %slice3A_34, %slice3A_35, %slice3A_36 in 0 : vector<128x1xf32>, vector<128x1xf32>, vector<128x1xf32>, vector<128x1xf32>, vector<128x1xf32>, vector<128x1xf32>, vector<128x1xf32>, vector<128x1xf32> -> vector<1024x1xf32>
    %add3A_38 = arith.addf %add3A_22, %concatenate3A_37 : vector<1024x1xf32>
    %div3A = vector.broadcast %add3A_22 : vector<1024x1xf32> to vector<1024x128xf32>
    %div3A_39 = arith.divf %get3A_3, %div3A : vector<1024x128xf32>
    %add3A_40 = arith.addf %get3A_3, %get3A_8 : vector<1024x128xf32>
    %div3A_41 = vector.broadcast %add3A_38 : vector<1024x1xf32> to vector<1024x128xf32>
    %div3A_42 = arith.divf %add3A_40, %div3A_41 : vector<1024x128xf32>
    %get3A_43 = arith.constant 0 : index
    %get3A_44 = arith.constant 0 : index
    %get3A_45 = vector.load %arg3[%get3A_43, %get3A_44] : memref<128x128xf32, #tpu.memory_space<vmem>>, vector<128x128xf32>
    %dot_general3A = arith.constant dense<0.000000e+00> : vector<1024x128xf32>
    %dot_general3A_46 = tpu.matmul %div3A_39, %get3A_45, %dot_general3A {dimension_numbers = #tpu.dot_dimension_numbers<[1], [0], [0], [1], [0, 0, 1, 1], [], []>, transpose_lhs_hint = false} : vector<1024x128xf32>, vector<128x128xf32>, vector<1024x128xf32> -> vector<1024x128xf32>
    %get3A_47 = arith.constant 0 : index
    %get3A_48 = arith.constant 0 : index
    %get3A_49 = vector.load %arg7[%get3A_47, %get3A_48] : memref<1x128xf32, #tpu.memory_space<vmem>>, vector<1x128xf32>
    %add3A_50 = vector.broadcast %get3A_49 : vector<1x128xf32> to vector<1024x128xf32>
    %add3A_51 = arith.addf %dot_general3A_46, %add3A_50 : vector<1024x128xf32>
    %get3A_52 = arith.constant 0 : index
    %get3A_53 = arith.constant 0 : index
    %get3A_54 = vector.load %arg4[%get3A_52, %get3A_53] : memref<128x128xf32, #tpu.memory_space<vmem>>, vector<128x128xf32>
    %dot_general3A_55 = arith.constant dense<0.000000e+00> : vector<1024x128xf32>
    %dot_general3A_56 = tpu.matmul %div3A_42, %get3A_54, %dot_general3A_55 {dimension_numbers = #tpu.dot_dimension_numbers<[1], [0], [0], [1], [0, 0, 1, 1], [], []>, transpose_lhs_hint = false} : vector<1024x128xf32>, vector<128x128xf32>, vector<1024x128xf32> -> vector<1024x128xf32>
    %get3A_57 = arith.constant 0 : index
    %get3A_58 = arith.constant 0 : index
    %get3A_59 = vector.load %arg8[%get3A_57, %get3A_58] : memref<1x128xf32, #tpu.memory_space<vmem>>, vector<1x128xf32>
    %add3A_60 = vector.broadcast %get3A_59 : vector<1x128xf32> to vector<1024x128xf32>
    %add3A_61 = arith.addf %dot_general3A_56, %add3A_60 : vector<1024x128xf32>
    %get3A_62 = arith.constant 0 : index
    %get3A_63 = arith.constant 0 : index
    %get3A_64 = vector.load %arg5[%get3A_62, %get3A_63] : memref<128x128xf32, #tpu.memory_space<vmem>>, vector<128x128xf32>
    %dot_general3A_65 = arith.constant dense<0.000000e+00> : vector<1024x128xf32>
    %dot_general3A_66 = tpu.matmul %add3A_51, %get3A_64, %dot_general3A_65 {dimension_numbers = #tpu.dot_dimension_numbers<[1], [0], [0], [1], [0, 0, 1, 1], [], []>, transpose_lhs_hint = false} : vector<1024x128xf32>, vector<128x128xf32>, vector<1024x128xf32> -> vector<1024x128xf32>
    %get3A_67 = arith.constant 0 : index
    %get3A_68 = arith.constant 0 : index
    %get3A_69 = vector.load %arg6[%get3A_67, %get3A_68] : memref<128x128xf32, #tpu.memory_space<vmem>>, vector<128x128xf32>
    %dot_general3A_70 = arith.constant dense<0.000000e+00> : vector<1024x128xf32>
    %dot_general3A_71 = tpu.matmul %add3A_61, %get3A_69, %dot_general3A_70 {dimension_numbers = #tpu.dot_dimension_numbers<[1], [0], [0], [1], [0, 0, 1, 1], [], []>, transpose_lhs_hint = false} : vector<1024x128xf32>, vector<128x128xf32>, vector<1024x128xf32> -> vector<1024x128xf32>
    %add3A_72 = arith.addf %dot_general3A_66, %dot_general3A_71 : vector<1024x128xf32>
    %get3A_73 = arith.constant 0 : index
    %get3A_74 = arith.constant 0 : index
    %get3A_75 = vector.load %arg9[%get3A_73, %get3A_74] : memref<1x128xf32, #tpu.memory_space<vmem>>, vector<1x128xf32>
    %add3A_76 = vector.broadcast %get3A_75 : vector<1x128xf32> to vector<1024x128xf32>
    %add3A_77 = arith.addf %add3A_72, %add3A_76 : vector<1024x128xf32>
    %logistic3A = arith.negf %add3A_77 : vector<1024x128xf32>
    %logistic3A_78 = math.exp %logistic3A : vector<1024x128xf32>
    %logistic3A_79 = arith.constant 1.000000e+00 : f32
    %logistic3A_80 = vector.broadcast %logistic3A_79 : f32 to vector<1024x128xf32>
    %logistic3A_81 = arith.addf %logistic3A_80, %logistic3A_78 : vector<1024x128xf32>
    %logistic3A_82 = arith.divf %logistic3A_80, %logistic3A_81 : vector<1024x128xf32>
    %mul3A = arith.mulf %logistic3A_82, %add3A_51 : vector<1024x128xf32>
    %sub3A = arith.constant 1.000000e+00 : f32
    %sub3A_83 = vector.broadcast %sub3A : f32 to vector<1024x128xf32>
    %sub3A_84 = arith.subf %sub3A_83, %logistic3A_82 : vector<1024x128xf32>
    %mul3A_85 = arith.mulf %sub3A_84, %add3A_61 : vector<1024x128xf32>
    %add3A_86 = arith.addf %mul3A, %mul3A_85 : vector<1024x128xf32>
    %swap3A = arith.constant 0 : index
    %swap3A_87 = arith.constant 0 : index
    %swap3A_88 = vector.load %arg10[%swap3A, %swap3A_87] : memref<1024x128xf32, #tpu.memory_space<vmem>>, vector<1024x128xf32>
    tpu.vector_store %arg10[%swap3A, %swap3A_87], %add3A_86 {strides = array<i32>} : memref<1024x128xf32, #tpu.memory_space<vmem>>, vector<1024x128xf32>,
    return
  }
  func.func @transform_0(%arg0: i32) -> (i32, i32, i32) {
    %c0_i32 = arith.constant 0 : i32
    %c0_i32_0 = arith.constant 0 : i32
    %c0_i32_1 = arith.constant 0 : i32
    return %c0_i32, %arg0, %c0_i32_0 : i32, i32, i32
  }
  func.func @transform_1(%arg0: i32) -> (i32, i32, i32) {
    %c0_i32 = arith.constant 0 : i32
    %c0_i32_0 = arith.constant 0 : i32
    %c0_i32_1 = arith.constant 0 : i32
    return %c0_i32, %arg0, %c0_i32_0 : i32, i32, i32
  }
  func.func @transform_2(%arg0: i32) -> (i32, i32) {
    %c0_i32 = arith.constant 0 : i32
    %c0_i32_0 = arith.constant 0 : i32
    %c0_i32_1 = arith.constant 0 : i32
    return %c0_i32, %c0_i32_0 : i32, i32
  }
  func.func @transform_3(%arg0: i32) -> (i32, i32) {
    %c0_i32 = arith.constant 0 : i32
    %c0_i32_0 = arith.constant 0 : i32
    %c0_i32_1 = arith.constant 0 : i32
    return %c0_i32, %c0_i32_0 : i32, i32
  }
  func.func @transform_4(%arg0: i32) -> (i32, i32) {
    %c0_i32 = arith.constant 0 : i32
    %c0_i32_0 = arith.constant 0 : i32
    %c0_i32_1 = arith.constant 0 : i32
    return %c0_i32, %c0_i32_0 : i32, i32
  }
  func.func @transform_5(%arg0: i32) -> (i32, i32) {
    %c0_i32 = arith.constant 0 : i32
    %c0_i32_0 = arith.constant 0 : i32
    %c0_i32_1 = arith.constant 0 : i32
    return %c0_i32, %c0_i32_0 : i32, i32
  }
  func.func @transform_6(%arg0: i32) -> (i32, i32) {
    %c0_i32 = arith.constant 0 : i32
    %c0_i32_0 = arith.constant 0 : i32
    %c0_i32_1 = arith.constant 0 : i32
    return %c0_i32, %c0_i32_0 : i32, i32
  }
  func.func @transform_7(%arg0: i32) -> (i32, i32) {
    %c0_i32 = arith.constant 0 : i32
    %c0_i32_0 = arith.constant 0 : i32
    %c0_i32_1 = arith.constant 0 : i32
    return %c0_i32, %c0_i32_0 : i32, i32
  }
  func.func @transform_8(%arg0: i32) -> (i32, i32) {
    %c0_i32 = arith.constant 0 : i32
    %c0_i32_0 = arith.constant 0 : i32
    %c0_i32_1 = arith.constant 0 : i32
    return %c0_i32, %c0_i32_0 : i32, i32
  }
  func.func @transform_9(%arg0: i32) -> (i32, i32) {
    %c0_i32 = arith.constant 0 : i32
    %c0_i32_0 = arith.constant 0 : i32
    return %arg0, %c0_i32 : i32, i32
  }
}

</mosaic_0001>

<sc_bundles>
// kernel: kernel.4.cloned.1.call-start
scs
__scs_entry_jumppad:
0x0: {  	(pc) =	sbr.rel $0x88, $3  }
0x1: {  	(tag) =	ssettag $0x0;
	lr =	simm.s32 $0x1  }
0x2: {  	[smem:$0x3F99] =	sst lr;
	_ =	strace $0xD0000000  }
0x3: {  	_ = 	snop  }
0x4: {  	_ = 	snop  }
0x5: {  	_ = 	snop  }
0x6: {  	_ = 	snop  }
0x7: {  	_ = 	snop  }
__scs_overlays_trampoline_lowered:
0x8: {  	[smem:$0x3FA8] =	sst s0  }
0x9: {  	[smem:$0x3FA9] =	sst s1  }
0xa: {  	[smem:$0x3FAA] =	sst s2  }
0xb: {  	[smem:$0x3FAB] =	sst s3  }
0xc: {  	[smem:$0x3FAC] =	sst s4  }
0xd: {  	[smem:$0x3FAD] =	sst s5  }
0xe: {  	[smem:$0x3FAE] =	sst s6  }
0xf: {  	[smem:$0x3FAF] =	sst s7  }
0x10: {  	[smem:$0x3FB0] =	sst s8  }
0x11: {  	[smem:$0x3FB1] =	sst s9;
	s0 =	simm.s32 @!p0 $0x0  }
0x12: {  	s1 =	sld [smem:$0x3F97];
	s0 =	simm.s32 @p0 $0x1  }
0x13: {  	[smem:$0x3FB2] =	sst s0;
	s0 =	simm.s32 @!p1 $0x0  }
0x14: {  	s2 =	sld [smem:$0x3F96];
	s0 =	simm.s32 @p1 $0x1  }
0x15: {  	[smem:$0x3FB3] =	sst s0;
	s0 =	simm.s32 @!p2 $0x0  }
0x16: {  	s3 =	sld [smem:$0x3FDB];
	s0 =	simm.s32 @p2 $0x1  }
0x17: {  	s4 =	simm.s32 $0x1BF5;
	[smem:$0x3FB5] =	sst s0  }
0x18: {  	s0 =	sld [smem:$0x3F98];
	_ =	swait.ge [sflag:s4], $0x0  }
0x19: {  	s7 =	sld [smem:$0x3F99]  }
0x1a: {  	s8 =	sadd.s32 $0xFFFFE003, lr  }
0x1b: {  	s9 =	sadd.s32 $0xFFFFFEF7, lr;
	s5 =	simm.s32 $0xFFFFFFFF;
	p2 =	slt.u32 s8, $0xFFFFF086  }
0x1c: {  	p1 =	slt.u32 s9, $0xF7A;
	s5 =	simm.s32 @!p2 $0x0  }
0x1d: {  	s5 =	simm.s32 @p1 $0x1;
	p0 =	seq.s32 s7, s2  }
0x1e: {  	s7 =	smul.u32 @!p0 $0xF7A, s2;
	p2 =	seq.s32 @!p0 s5, $0x0  }
0x1f: {  	s9 =	smul.u32 $0xF7A, s1;
	s8 =	simm.s32 @!p0 $0x1BF5;
	p2 =	por !p2, p0  }
0x20: {  	[sflag:s8] =	ssyncset.s32 @!p0 $0xFFFFF086;
	s6 =	sadd.s32 @!p0 s3, s7;
	s7 =	simm.s32 @!p0 $0x108  }
0x21: {  	s3 =	sadd.s32 s3, s9;
	s6 =	sadd.s32 @!p0 $0x88, s6;
	s7 =	simm.s32 @p2 $0x1082  }
0x22: {  	[simem:s7], [sflag:s8] =	dma.local @!p0 [hbm:s6], $0xF7A  }
0x23: {  	s9 =	sor.u32 $0xD0000000, s2;
	s6 =	simm.s32 $0x108;
	_ =	swait.ge @!p0 [sflag:s8], $0x0  }
0x24: {  	s3 =	sadd.s32 $0x88, s3;
	s6 =	simm.s32 @!p1 $0x1082;
	[sflag:s4] =	ssyncset.s32 $0xFFFFF086  }
0x25: {  	[simem:s6], [sflag:s4] =	dma.local [hbm:s3], $0xF7A  }
0x26: {  	[smem:$0x3F99] =	sst s1;
	(tag) =	ssettag s2;
	_ =	strace s9  }
0x27: {  	s1 =	sld [smem:$0x3FA9]  }
0x28: {  	s2 =	sld [smem:$0x3FAA]  }
0x29: {  	s4 =	sld [smem:$0x3FAC]  }
0x2a: {  	p0 =	seq.s32 s5, $0x0;
	s5 =	sld [smem:$0x3FAD]  }
0x2b: {  	s6 =	sld [smem:$0x3FAE]  }
0x2c: {  	s7 =	sld [smem:$0x3FAF]  }
0x2d: {  	s3 =	simm.s32 $0x108;
	s8 =	sld [smem:$0x3FB0]  }
0x2e: {  	s3 =	simm.s32 @!p0 $0x1082;
	s9 =	sld [smem:$0x3FB1]  }
0x2f: {  	lr =	sadd.s32 s0, s3;
	s0 =	sld [smem:$0x3FA8]  }
0x30: {  	s3 =	sld [smem:$0x3FAB]  }
0x31: {  	[smem:$0x3FB4] =	sst s10  }
0x32: {  	s10 =	sld [smem:$0x3FB2];
	_ =	sdelay $0x3  }
0x33: {  	p0 =	seq.s32 s10, $0x1;
	s10 =	sld [smem:$0x3FB4];
	_ =	sdelay $0x3  }
0x34: {  	[smem:$0x3FB4] =	sst s10  }
0x35: {  	s10 =	sld [smem:$0x3FB3];
	_ =	sdelay $0x3  }
0x36: {  	p1 =	seq.s32 s10, $0x1;
	s10 =	sld [smem:$0x3FB4];
	_ =	sdelay $0x3  }
0x37: {  	[smem:$0x3FB4] =	sst s10  }
0x38: {  	s10 =	sld [smem:$0x3FB5]  }
0x39: {  	_ = 	snop;
	(pc) =	sbr.ind lr, $3  }
0x3a: {  	_ = 	snop  }
0x3b: {  	_ = 	snop  }
0x3c: {  	p2 =	seq.s32 s10, $0x1;
	s10 =	sld [smem:$0x3FB4]  }
0x3d: {  	_ =	shalt  }
0x3e: {  	_ =	shalt  }
0x3f: {  	_ =	shalt  }
0x40: {  	_ =	shalt  }
0x41: {  	_ =	shalt  }
0x42: {  	_ =	shalt  }
0x43: {  	_ =	shalt  }
0x44: {  	_ =	shalt  }
0x45: {  	_ =	shalt  }
0x46: {  	_ =	shalt  }
0x47: {  	_ =	shalt  }
0x48: {  	_ =	shalt  }
0x49: {  	_ =	shalt  }
0x4a: {  	_ =	shalt  }
0x4b: {  	_ =	shalt  }
0x4c: {  	_ =	shalt  }
0x4d: {  	_ =	shalt  }
0x4e: {  	_ =	shalt  }
0x4f: {  	_ =	shalt  }
0x50: {  	_ =	shalt  }
0x51: {  	_ =	shalt  }
0x52: {  	_ =	shalt  }
0x53: {  	_ =	shalt  }
0x54: {  	_ =	shalt  }
0x55: {  	_ =	shalt  }
0x56: {  	_ =	shalt  }
0x57: {  	_ =	shalt  }
0x58: {  	_ =	shalt  }
0x59: {  	_ =	shalt  }
0x5a: {  	_ =	shalt  }
0x5b: {  	_ =	shalt  }
0x5c: {  	_ =	shalt  }
0x5d: {  	_ =	shalt  }
0x5e: {  	_ =	shalt  }
0x5f: {  	_ =	shalt  }
0x60: {  	_ =	shalt  }
0x61: {  	_ =	shalt  }
0x62: {  	_ =	shalt  }
0x63: {  	_ =	shalt  }
0x64: {  	_ =	shalt  }
0x65: {  	_ =	shalt  }
0x66: {  	_ =	shalt  }
0x67: {  	_ =	shalt  }
0x68: {  	_ =	shalt  }
0x69: {  	_ =	shalt  }
0x6a: {  	_ =	shalt  }
0x6b: {  	_ =	shalt  }
0x6c: {  	_ =	shalt  }
0x6d: {  	_ =	shalt  }
0x6e: {  	_ =	shalt  }
0x6f: {  	_ =	shalt  }
0x70: {  	_ =	shalt  }
0x71: {  	_ =	shalt  }
0x72: {  	_ =	shalt  }
0x73: {  	_ =	shalt  }
0x74: {  	_ =	shalt  }
0x75: {  	_ =	shalt  }
0x76: {  	_ =	shalt  }
0x77: {  	_ =	shalt  }
0x78: {  	_ =	shalt  }
0x79: {  	_ =	shalt  }
0x7a: {  	_ =	shalt  }
0x7b: {  	_ =	shalt  }
0x7c: {  	_ =	shalt  }
0x7d: {  	_ =	shalt  }
0x7e: {  	_ =	shalt  }
0x7f: {  	_ =	shalt  }
0x80: {  	_ =	shalt  }
0x81: {  	_ =	shalt  }
0x82: {  	_ =	shalt  }
0x83: {  	_ =	shalt  }
0x84: {  	_ =	shalt  }
0x85: {  	_ =	shalt  }
0x86: {  	_ =	shalt  }
0x87: {  	_ =	shalt  }
.Lfunc_end0:
.L_simem_size_0:
called_computation_lowered:
.L_overlay_start_0:
0x88: {  	s2 =	sld [smem:$0x3FD9]  }
0x89: {  	s3 =	sld [smem:$0x3FFE];
	_ =	sdelay $0x1  }
0x8a: {  	s1 =	srdreg.scid  }
0x8b: {  	s0 =	sand.u32 $0x1, s1  }
0x8c: {  	s17 =	sshll.u32 s0, $0xA;
	s2 =	sadd.s32 s3, s2  }
0x8d: {  	s2 =	sadd.s32 s2, s17  }
0x8e: {  	[smem:$0x3FC0] =	sst s2  }
0x8f: {  	_ = 	snop  }
0x90: {  	s2 =	sld [smem:$0x3FC9]  }
0x91: {  	s18 =	sld [smem:$0x3FD0];
	(tm) =	ssettm $0x1  }
0x92: {  	s4 =	sld [smem:$0x3FFB];
	_ =	sdelay $0x3  }
0x93: {  	_ =	strace s4  }
0x94: {  	s4 =	sld [smem:$0x3FFC];
	_ =	sdelay $0x3  }
0x95: {  	_ =	strace s4  }
0x96: {  	s4 =	sld [smem:$0x3FFD];
	_ =	sdelay $0x3  }
0x97: {  	_ =	strace s4  }
0x98: {  	_ =	strace $0x8FFFFFFF  }
0x99: {  	s19 =	sld [smem:$0x3FDB];
	_ =	sdelay $0x1  }
0x9a: {  	s5 =	simm.s32 $_scs_section_size  }
0x9b: {  	s6 =	simm.s32 $_size__tile_overlayer_lowered;
	s7 =	simm.s32 $_tile_overlayer_lowered  }
0x9c: {  	s22 =	simm.s32 $0x1BFF;
	s21 =	sshll.u32 s7, $0x1;
	s4 =	sadd.s32 s5, s19  }
0x9d: {  	s8 =	simm.s32 $0x0;
	s20 =	sshll.u32 s6, $0x1;
	s6 =	sadd.s32 s21, s4  }
0x9e: {  	[timem:s8], [sflag:s22] =	dma.local [hbm:s6], s20  }
0x9f: {  	_ =	swait.ge [sflag:s22], s20  }
0xa0: {  	s5 =	ssub.s32 $0x0, s20;
	[sflag:s22] =	ssyncset.done $0x0  }
0xa1: {  	[sflag:s22] =	ssyncadd.s32 s5;
	_ =	sdelay $0x1  }
0xa2: {  	s23 =	simm.s32 $0x1B8B  }
0xa3: {  	_ =	swait.ge [sflag:s23], $0x1  }
0xa4: {  	[sflag:s23] =	ssyncset.done $0x0  }
0xa5: {  	s25 =	simm.s32 $0x1B8E;
	s24 =	sld [smem:$0x3FFE];
	[sflag:s23] =	ssyncadd.s32 $0xFFFFFFFF  }
0xa6: {  	s26 =	simm.s32 $execute0_lowered;
	[smem:$0x3FD2] =	sst s25  }
0xa7: {  	s6 =	sshll.u32 s26, $0x1;
	_ =	strace $0x80000046;
	[dreg:$0x1] =	wrdreg $0xFFFFFFFF  }
0xa8: {  	s28 =	simm.s32 $_size_execute0_lowered;
	s4 =	sadd.s32 s4, s6;
	[dreg:$0x0] =	wrdreg $0x0  }
0xa9: {  	s6 =	sshll.u32 s28, $0x1;
	[dreg:$0x2] =	wrdreg s4  }
0xaa: {  	[dreg:$0x3] =	wrdreg s6  }
0xab: {  	[dreg:$0x4] =	wrdreg $0xC0  }
0xac: {  	_ =	task [dreg:s8], $0x5FFFF  }
0xad: {  	[dreg:$0x1] =	wrdreg $0xFFFFFFFF  }
0xae: {  	[dreg:$0x0] =	wrdreg $0x60  }
0xaf: {  	[dreg:$0x2] =	wrdreg s18  }
0xb0: {  	[dreg:$0x3] =	wrdreg s2  }
0xb1: {  	[dreg:$0x4] =	wrdreg s24  }
0xb2: {  	[dreg:$0x5] =	wrdreg $0xBC000  }
0xb3: {  	[dreg:$0x6] =	wrdreg $0x1FC000  }
0xb4: {  	[dreg:$0x7] =	wrdreg $0x9  }
0xb5: {  	_ =	task.clear_ibuf [dreg:s8], $0x8FFFF;
	_ =	strace $0x90000046  }
0xb6: {  	s29 =	simm.s32 $0x9;
	_ =	strace $0x80000048  }
0xb7: {  	_ =	swait.ge [sflag:s29], $0x1  }
0xb8: {  	[sflag:s29] =	ssyncadd.s32 $0xFFFFFFFF  }
0xb9: {  	_ =	strace $0x90000048  }
0xba: {  	_ =	sfence  }
0xbb: {  	s30 =	sld [smem:$0x0];
	_ =	sdelay $0x2  }
0xbc: {  	s31 =	sshll.u32 s1, $0xD;
	s1 =	sshrl.u32 s1, $0x2  }
0xbd: {  	s3 =	sand.u32 $0x4000, s31;
	s1 =	sadd.s32 s1, s30  }
0xbe: {  	s0 =	sor.u32 s3, s0;
	s1 =	sshll.u32 s1, $0x11  }
0xbf: {  	s0 =	sor.u32 s1, s0  }
0xc0: {  	s0 =	sadd.s32 $0x8F2B, s0  }
0xc1: {  	[sflag:s0] =	ssyncadd.remote.s32 $0x1  }
0xc2: {  	_ =	sfence.sel $0xFFFF  }
0xc3: {  	[dreg:$0x0] =	wrdreg $0xFFFFFFFF;
	(pc) =	sbr.abs _section_cstart, $3  }
0xc4: {  	[dreg:$0x1] =	wrdreg $0xFFFFFFFF  }
0xc5: {  	_ =	task.clear_ibuf [dreg:s8], $0x2FFFF;
	_ =	strace $0x9FFFFFFF  }
0xc6: {  	(tm) =	ssettm $0x7FFFFFFF  }
0xc7: {  	_ =	shalt  }
tec
execute0_lowered:
.L_overlay_start_1:
0x0: {  	(tag) =	ssettag $0x1  }
0x1: {  	s1 =	rddreg [dreg:$0x0]  }
0x2: {  	s0 =	rddreg [dreg:$0x1]  }
0x3: {  	s2 =	rddreg [dreg:$0x2]  }
0x4: {  	s3 =	rddreg [dreg:$0x3];
	s5 =	srdreg.scid  }
0x5: {  	s4 =	rddreg [dreg:$0x4];
	s18 =	stileid.u32;
	s8 =	simm.s32 $0x0  }
0x6: {  	s16 =	simm.s32 $0x5;
	s17 =	simm.s32 $0x80;
	s7 =	smul.u32 $0x14000, s18  }
0x7: {  	s19 =	simm.s32 $0x5400;
	s20 =	simm.s32 $0x1400;
	s10 =	smul.u32 $0x1400, s18  }
0x8: {  	s28 =	simm.s32 $0x1300;
	s5 =	sand.u32 $0x1, s5;
	s24 =	smul.u32 $0x50000, s18  }
0x9: {  	s29 =	simm.s32 $0x9C00;
	s30 =	simm.s32 $0xA400;
	s6 =	smul.u32 $0x140000, s5  }
0xa: {  	s31 =	simm.s32 $0xAC00;
	[smem:$0x7FF] =	sst s8;
	s21 =	smul.u32 $0x2800, s5  }
0xb: {  	s9 =	sshll.u32 s18, $0xA;
	s22 =	smul.u32 $0x14000, s5;
	s5 =	ssub.s32 $0x2, s5  }
0xc: {  	p0 =	sgt.u32 s18, $0x9;
	_ =	strace $0x80000047;
	s25 =	sshrl.u32 s5, $0x1  }
0xd: {  	s26 =	sshrl.u32 s24, $0x2;
	s24 =	simm.s32 $0x3;
	s6 =	sadd.s32 s7, s6  }
0xe: {  	s8 =	sadd.s32 s9, s21;
	s7 =	sadd.s32 s10, s22;
	s5 =	ssub.s32 s5, s25  }
0xf: {  	s21 =	simm.s32 $0x1;
	s22 =	simm.s32 $0x9400;
	s25 =	simm.s32 $0x4  }
0x10: {  	s6 =	sshrl.u32 s6, $0x3;
	s23 =	sshrl.u32 s8, $0x3;
	s7 =	sshrl.u32 s7, $0x3  }
0x11: {  	s8 =	sadd.s32 s9, s4;
	s11 =	sadd.s32 s6, s2;
	s2 =	sadd.s32 s23, s2  }
0x12: {  	s6 =	sadd.s32 s1, s7;
	s7 =	sadd.s32 s26, s3;
	s23 =	simm.s32 $0x2  }
0x13: {  	v0 =	vimm.f32 $0.0e+00;
	v1 =	vlaneseq.u32;
	s1 =	simm.s32 $0xB400;
	s9 =	sadd.s32 $0xA00, s11;
	s10 =	sadd.s32 $0x50A00, s2  }
0x14: {  	v2 =	vimm.f32 $1.000000000e+00;
	vm0 =	vmmov $0xffff;
	v3 =	vor.u32 $0x10, v1;
	s11 =	smax.u32 s5, $0x1;
	s12 =	sadd.s32 $0x4000, s7;
	s13 =	sadd.s32 $0x8000, s7  }
0x15: {  	v4 =	vor.u32 $0x20, v1;
	v5 =	vor.u32 $0x30, v1;
	v6 =	vor.u32 $0x40, v1;
	s14 =	sadd.s32 $0xC000, s7;
	s15 =	sadd.s32 $0x10000, s7;
	s5 =	simm.s32 $0x0  }
.LBB2_1:
0x16: {  	s2 =	simm.s32 $0x0  }
0x17: {  	[tilespmem:s2], [sflag:$0x5] =	stream.linear.gather [hbm4b:s6+s2], $0x1400, $0x38;
	[tilespmem:$0x1FE80] =	vst v63  }
0x18: {  	_ =	swait.ge [sflag:s16], $0x1400  }
0x19: {  	s26 =	simm.s32 $0x180;
	[sflag:s16] =	ssyncset.done $0x0  }
0x1a: {  	s18 =	simm.s32 $0x0;
	s2 =	simm.s32 $0x200;
	[sflag:s16] =	ssyncadd.s32 $0xFFFFEC00  }
0x1b: {  	[tilespmem:s19], [sflag:$0x2] =	stream.indirect.gather [hbm4b:s0+s17], $0x80, s26, s17, $0xb8;
	[tilespmem:$0x1FE80] =	vst v63  }
.LBB2_2:
0x1c: {  	p1 =	sne.s32 s2, $0xFE00;
	[tilespmem:s18+$0x1470] =	vst v0  }
0x1d: {  	[tilespmem:s18+$0x1400] =	vst v0  }
0x1e: {  	[tilespmem:s18+$0x1410] =	vst v0  }
.Ltmp0:
0x1f: {  	[tilespmem:s18+$0x1420] =	vst v0;
	(pc) =	sbr.rel @p1 .LBB2_2-.Ltmp0, $4  }
0x20: {  	[tilespmem:s18+$0x1430] =	vst v0  }
0x21: {  	[tilespmem:s18+$0x1440] =	vst v0  }
0x22: {  	[tilespmem:s18+$0x1450] =	vst v0  }
0x23: {  	[tilespmem:s18+$0x1460] =	vst v0;
	s18 =	sshra.s32 s2, $0x2;
	s2 =	sadd.s32 $0x200, s2  }
0x24: {  	[tilespmem:s18+$0x1470] =	vst v0  }
0x25: {  	[tilespmem:s18+$0x1400] =	vst v0  }
0x26: {  	[tilespmem:s18+$0x1410] =	vst v0  }
0x27: {  	[tilespmem:s18+$0x1420] =	vst v0  }
0x28: {  	[tilespmem:s18+$0x1430] =	vst v0  }
0x29: {  	[tilespmem:s18+$0x1440] =	vst v0  }
0x2a: {  	[tilespmem:s18+$0x1450] =	vst v0  }
0x2b: {  	[tilespmem:s18+$0x1460] =	vst v0  }
0x2c: {  	[spmem:s7] =	stream.linear.scatter [tilespmem:s20], [sflag:$0x5], $0x4000, $0x38;
	[tilespmem:$0x1FE80] =	vst v63  }
0x2d: {  	_ =	swait.ge [sflag:s16], $0x4000  }
0x2e: {  	[sflag:s16] =	ssyncset.done $0x0  }
0x2f: {  	[sflag:s16] =	ssyncadd.s32 $0xFFFFC000  }
0x30: {  	[spmem:s12] =	stream.linear.scatter [tilespmem:s20], [sflag:$0x5], $0x4000, $0x38;
	[tilespmem:$0x1FE80] =	vst v63  }
0x31: {  	_ =	swait.ge [sflag:s16], $0x4000  }
0x32: {  	[sflag:s16] =	ssyncset.done $0x0  }
0x33: {  	[sflag:s16] =	ssyncadd.s32 $0xFFFFC000  }
0x34: {  	[spmem:s13] =	stream.linear.scatter [tilespmem:s20], [sflag:$0x5], $0x4000, $0x38;
	[tilespmem:$0x1FE80] =	vst v63  }
0x35: {  	_ =	swait.ge [sflag:s16], $0x4000  }
0x36: {  	[sflag:s16] =	ssyncset.done $0x0  }
0x37: {  	[sflag:s16] =	ssyncadd.s32 $0xFFFFC000  }
0x38: {  	[spmem:s14] =	stream.linear.scatter [tilespmem:s20], [sflag:$0x5], $0x4000, $0x38;
	[tilespmem:$0x1FE80] =	vst v63  }
0x39: {  	_ =	swait.ge [sflag:s16], $0x4000  }
0x3a: {  	[sflag:s16] =	ssyncset.done $0x0  }
0x3b: {  	[sflag:s16] =	ssyncadd.s32 $0xFFFFC000  }
0x3c: {  	[spmem:s15] =	stream.linear.scatter [tilespmem:s20], [sflag:$0x5], $0x4000, $0x38;
	[tilespmem:$0x1FE80] =	vst v63  }
0x3d: {  	_ =	swait.ge [sflag:s16], $0x4000  }
0x3e: {  	[sflag:s16] =	ssyncset.done $0x0  }
0x3f: {  	s2 =	simm.s32 @!p0 $0x1400;
	[sflag:s16] =	ssyncadd.s32 $0xFFFFC000  }
0x40: {  	[spmem:s8] =	stream.linear.scatter @!p0 [tilespmem:s2], [sflag:$0x5], $0x400, $0x38;
	[tilespmem:$0x1FE80] =	vst v63  }
0x41: {  	s2 =	simm.s32 @!p0 $0x5  }
0x42: {  	_ =	swait.ge @!p0 [sflag:s2], $0x400  }
0x43: {  	[sflag:s2] =	ssyncset.done @!p0 $0x0  }
0x44: {  	s18 =	simm.s32 $0x0;
	[sflag:s2] =	ssyncadd.s32 @!p0 $0xFFFFFC00;
	s2 =	simm.s32 $0x200  }
0x45: {  	[tilespmem:s20], [sflag:$0x1] =	stream.indirect.gather [hbm4b:s0+s17], $0x80, s17, s17, $0xb8;
	[tilespmem:$0x1FE80] =	vst v63  }
.LBB2_4:
0x46: {  	p1 =	sne.s32 s2, $0x9E00;
	[tilespmem:s18+$0x9470] =	vst v0  }
0x47: {  	[tilespmem:s18+$0x9400] =	vst v0  }
0x48: {  	[tilespmem:s18+$0x9410] =	vst v0  }
.Ltmp1:
0x49: {  	[tilespmem:s18+$0x9420] =	vst v0;
	(pc) =	sbr.rel @p1 .LBB2_4-.Ltmp1, $4  }
0x4a: {  	[tilespmem:s18+$0x9430] =	vst v0  }
0x4b: {  	[tilespmem:s18+$0x9440] =	vst v0  }
0x4c: {  	[tilespmem:s18+$0x9450] =	vst v0  }
0x4d: {  	[tilespmem:s18+$0x9460] =	vst v0;
	s18 =	sshra.s32 s2, $0x2;
	s2 =	sadd.s32 $0x200, s2  }
0x4e: {  	[tilespmem:s18+$0x9470] =	vst v0  }
0x4f: {  	[tilespmem:s18+$0x9400] =	vst v0  }
0x50: {  	[tilespmem:s18+$0x9410] =	vst v0  }
0x51: {  	[tilespmem:s18+$0x9420] =	vst v0  }
0x52: {  	[tilespmem:s18+$0x9430] =	vst v0  }
0x53: {  	[tilespmem:s18+$0x9440] =	vst v0  }
0x54: {  	[tilespmem:s18+$0x9450] =	vst v0  }
0x55: {  	[tilespmem:s18+$0x9460] =	vst v0  }
0x56: {  	s18 =	simm.s32 $0x0;
	[bflag:$0x0] =	sbarrier.arrive $0xFFFF  }
.LBB2_6:
0x57: {  	_ =	swait.ge [sflag:s21], $0x4000  }
0x58: {  	[sflag:s21] =	ssyncset.done $0x0  }
0x59: {  	s2 =	sshra.s32 s18, $0x2;
	[sflag:s21] =	ssyncadd.s32 $0xFFFFC000  }
0x5a: {  	[spmem:s3] =	stream.indirect.scatter.add.f32 [tilespmem:s20], [sflag:$0x3], $0x80, s2, s17, $0xb8;
	[tilespmem:$0x1FE80] =	vst v63  }
0x5b: {  	v7 =	vld [tilespmem:s2+$0x0];
	_ =	sdelay $0x7  }
0x5c: {  	[tilespmem:v7+s22+$0x0] =	vst.idx.add.f32.msk $0xffff, v2  }
0x5d: {  	v7 =	vld [tilespmem:s2+$0x10];
	_ =	sdelay $0x7  }
0x5e: {  	[tilespmem:v7+s22+$0x0] =	vst.idx.add.f32.msk $0xffff, v2  }
0x5f: {  	v7 =	vld [tilespmem:s2+$0x20];
	_ =	sdelay $0x7  }
0x60: {  	[tilespmem:v7+s22+$0x0] =	vst.idx.add.f32.msk $0xffff, v2  }
0x61: {  	v7 =	vld [tilespmem:s2+$0x30];
	_ =	sdelay $0x7  }
0x62: {  	[tilespmem:v7+s22+$0x0] =	vst.idx.add.f32.msk $0xffff, v2  }
0x63: {  	v7 =	vld [tilespmem:s2+$0x40];
	_ =	sdelay $0x7  }
0x64: {  	[tilespmem:v7+s22+$0x0] =	vst.idx.add.f32.msk $0xffff, v2  }
0x65: {  	v7 =	vld [tilespmem:s2+$0x50];
	_ =	sdelay $0x7  }
0x66: {  	[tilespmem:v7+s22+$0x0] =	vst.idx.add.f32.msk $0xffff, v2  }
0x67: {  	v7 =	vld [tilespmem:s2+$0x60];
	_ =	sdelay $0x7  }
0x68: {  	[tilespmem:v7+s22+$0x0] =	vst.idx.add.f32.msk $0xffff, v2  }
0x69: {  	v7 =	vld [tilespmem:s2+$0x70];
	_ =	sdelay $0x7  }
0x6a: {  	[tilespmem:v7+s22+$0x0] =	vst.idx.add.f32.msk $0xffff, v2  }
0x6b: {  	_ =	swait.ge [sflag:s23], $0x4000  }
0x6c: {  	[sflag:s23] =	ssyncset.done $0x0  }
0x6d: {  	s26 =	sadd.s32 $0x100, s2;
	[sflag:s23] =	ssyncadd.s32 $0xFFFFC000  }
0x6e: {  	[spmem:s3] =	stream.indirect.scatter.add.f32 [tilespmem:s19], [sflag:$0x4], $0x80, s26, s17, $0xb8;
	[tilespmem:$0x1FE80] =	vst v63  }
0x6f: {  	v7 =	vld [tilespmem:s2+$0x100];
	_ =	sdelay $0x7  }
0x70: {  	[tilespmem:v7+s22+$0x0] =	vst.idx.add.f32.msk $0xffff, v2  }
0x71: {  	v7 =	vld [tilespmem:s2+$0x110];
	_ =	sdelay $0x7  }
0x72: {  	[tilespmem:v7+s22+$0x0] =	vst.idx.add.f32.msk $0xffff, v2  }
0x73: {  	v7 =	vld [tilespmem:s2+$0x120];
	_ =	sdelay $0x7  }
0x74: {  	[tilespmem:v7+s22+$0x0] =	vst.idx.add.f32.msk $0xffff, v2  }
0x75: {  	v7 =	vld [tilespmem:s2+$0x130];
	_ =	sdelay $0x7  }
0x76: {  	[tilespmem:v7+s22+$0x0] =	vst.idx.add.f32.msk $0xffff, v2  }
0x77: {  	v7 =	vld [tilespmem:s2+$0x140];
	_ =	sdelay $0x7  }
0x78: {  	[tilespmem:v7+s22+$0x0] =	vst.idx.add.f32.msk $0xffff, v2  }
0x79: {  	v7 =	vld [tilespmem:s2+$0x150];
	_ =	sdelay $0x7  }
0x7a: {  	[tilespmem:v7+s22+$0x0] =	vst.idx.add.f32.msk $0xffff, v2  }
0x7b: {  	v7 =	vld [tilespmem:s2+$0x160];
	_ =	sdelay $0x7  }
0x7c: {  	[tilespmem:v7+s22+$0x0] =	vst.idx.add.f32.msk $0xffff, v2  }
0x7d: {  	v7 =	vld [tilespmem:s2+$0x170];
	_ =	sdelay $0x7  }
0x7e: {  	[tilespmem:v7+s22+$0x0] =	vst.idx.add.f32.msk $0xffff, v2  }
0x7f: {  	_ =	swait.ge [sflag:s24], $0x4000  }
0x80: {  	[sflag:s24] =	ssyncset.done $0x0  }
0x81: {  	p1 =	sne.s32 s18, $0x4000;
	s26 =	sadd.s32 $0x280, s2;
	[sflag:s24] =	ssyncadd.s32 $0xFFFFC000  }
0x82: {  	[tilespmem:s20], [sflag:$0x1] =	stream.indirect.gather [hbm4b:s0+s17], $0x80, s26, s17, $0xb8;
	[tilespmem:$0x1FE80] =	vst v63  }
.Ltmp2:
0x83: {  	_ = 	snop;
	(pc) =	sbr.rel @p1 .LBB2_6-.Ltmp2, $4  }
0x84: {  	_ =	swait.ge [sflag:s25], $0x4000  }
0x85: {  	[sflag:s25] =	ssyncset.done $0x0  }
0x86: {  	s18 =	sadd.s32 $0x800, s18;
	s2 =	sadd.s32 $0x380, s2;
	[sflag:s25] =	ssyncadd.s32 $0xFFFFC000  }
0x87: {  	[tilespmem:s19], [sflag:$0x2] =	stream.indirect.gather [hbm4b:s0+s17], $0x80, s2, s17, $0xb8;
	[tilespmem:$0x1FE80] =	vst v63  }
0x88: {  	_ =	swait.ge [sflag:s21], $0x4000  }
0x89: {  	[sflag:s21] =	ssyncset.done $0x0  }
0x8a: {  	s2 =	simm.s32 $0x1200;
	[sflag:s21] =	ssyncadd.s32 $0xFFFFC000  }
0x8b: {  	[spmem:s3] =	stream.indirect.scatter.add.f32 [tilespmem:s20], [sflag:$0x3], $0x80, s2, s17, $0xb8;
	[tilespmem:$0x1FE80] =	vst v63  }
0x8c: {  	v7 =	vld [tilespmem:$0x1200];
	_ =	sdelay $0x7  }
0x8d: {  	[tilespmem:v7+s22+$0x0] =	vst.idx.add.f32.msk $0xffff, v2  }
0x8e: {  	v7 =	vld [tilespmem:$0x1210];
	_ =	sdelay $0x7  }
0x8f: {  	[tilespmem:v7+s22+$0x0] =	vst.idx.add.f32.msk $0xffff, v2  }
0x90: {  	v7 =	vld [tilespmem:$0x1220];
	_ =	sdelay $0x7  }
0x91: {  	[tilespmem:v7+s22+$0x0] =	vst.idx.add.f32.msk $0xffff, v2  }
0x92: {  	v7 =	vld [tilespmem:$0x1230];
	_ =	sdelay $0x7  }
0x93: {  	[tilespmem:v7+s22+$0x0] =	vst.idx.add.f32.msk $0xffff, v2  }
0x94: {  	v7 =	vld [tilespmem:$0x1240];
	_ =	sdelay $0x7  }
0x95: {  	[tilespmem:v7+s22+$0x0] =	vst.idx.add.f32.msk $0xffff, v2  }
0x96: {  	v7 =	vld [tilespmem:$0x1250];
	_ =	sdelay $0x7  }
0x97: {  	[tilespmem:v7+s22+$0x0] =	vst.idx.add.f32.msk $0xffff, v2  }
0x98: {  	v7 =	vld [tilespmem:$0x1260];
	_ =	sdelay $0x7  }
0x99: {  	[tilespmem:v7+s22+$0x0] =	vst.idx.add.f32.msk $0xffff, v2  }
0x9a: {  	v7 =	vld [tilespmem:$0x1270];
	_ =	sdelay $0x7  }
0x9b: {  	[tilespmem:v7+s22+$0x0] =	vst.idx.add.f32.msk $0xffff, v2  }
0x9c: {  	_ =	swait.ge [sflag:s23], $0x4000  }
0x9d: {  	[sflag:s23] =	ssyncset.done $0x0  }
0x9e: {  	[sflag:s23] =	ssyncadd.s32 $0xFFFFC000  }
0x9f: {  	[spmem:s3] =	stream.indirect.scatter.add.f32 [tilespmem:s19], [sflag:$0x4], $0x80, s28, s17, $0xb8;
	[tilespmem:$0x1FE80] =	vst v63  }
0xa0: {  	v7 =	vld [tilespmem:$0x1300];
	_ =	sdelay $0x7  }
0xa1: {  	[tilespmem:v7+s22+$0x0] =	vst.idx.add.f32.msk $0xffff, v2  }
0xa2: {  	v7 =	vld [tilespmem:$0x1310];
	_ =	sdelay $0x7  }
0xa3: {  	[tilespmem:v7+s22+$0x0] =	vst.idx.add.f32.msk $0xffff, v2  }
0xa4: {  	v7 =	vld [tilespmem:$0x1320];
	_ =	sdelay $0x7  }
0xa5: {  	[tilespmem:v7+s22+$0x0] =	vst.idx.add.f32.msk $0xffff, v2  }
0xa6: {  	v7 =	vld [tilespmem:$0x1330];
	_ =	sdelay $0x7  }
0xa7: {  	[tilespmem:v7+s22+$0x0] =	vst.idx.add.f32.msk $0xffff, v2  }
0xa8: {  	v7 =	vld [tilespmem:$0x1340];
	_ =	sdelay $0x7  }
0xa9: {  	[tilespmem:v7+s22+$0x0] =	vst.idx.add.f32.msk $0xffff, v2  }
0xaa: {  	v7 =	vld [tilespmem:$0x1350];
	_ =	sdelay $0x7  }
0xab: {  	[tilespmem:v7+s22+$0x0] =	vst.idx.add.f32.msk $0xffff, v2  }
0xac: {  	v7 =	vld [tilespmem:$0x1360];
	_ =	sdelay $0x7  }
0xad: {  	[tilespmem:v7+s22+$0x0] =	vst.idx.add.f32.msk $0xffff, v2  }
0xae: {  	v7 =	vld [tilespmem:$0x1370];
	_ =	sdelay $0x7  }
0xaf: {  	[tilespmem:v7+s22+$0x0] =	vst.idx.add.f32.msk $0xffff, v2  }
0xb0: {  	_ =	swait.ge [sflag:s24], $0x4000  }
0xb1: {  	[sflag:s24] =	ssyncset.done $0x0  }
0xb2: {  	[sflag:s24] =	ssyncadd.s32 $0xFFFFC000  }
0xb3: {  	_ =	swait.ge [sflag:s25], $0x4000  }
0xb4: {  	[sflag:s25] =	ssyncset.done $0x0  }
0xb5: {  	[sflag:s25] =	ssyncadd.s32 $0xFFFFC000  }
0xb6: {  	[spmem:s4] =	stream.indirect_vreg.scatter.add.f32 [tilespmem:s22], [sflag:$0x5], $0x80, v1, vm0, $0xb8;
	[tilespmem:$0x1FE80] =	vst v63  }
0xb7: {  	_ =	swait.ge [sflag:s16], $0x800  }
0xb8: {  	[sflag:s16] =	ssyncset.done $0x0  }
0xb9: {  	[sflag:s16] =	ssyncadd.s32 $0xFFFFF800  }
0xba: {  	[spmem:s4] =	stream.indirect_vreg.scatter.add.f32 [tilespmem:s29], [sflag:$0x5], $0x80, v3, vm0, $0xb8;
	[tilespmem:$0x1FE80] =	vst v63  }
0xbb: {  	_ =	swait.ge [sflag:s16], $0x800  }
0xbc: {  	[sflag:s16] =	ssyncset.done $0x0  }
0xbd: {  	[sflag:s16] =	ssyncadd.s32 $0xFFFFF800  }
0xbe: {  	[spmem:s4] =	stream.indirect_vreg.scatter.add.f32 [tilespmem:s30], [sflag:$0x5], $0x80, v4, vm0, $0xb8;
	[tilespmem:$0x1FE80] =	vst v63  }
0xbf: {  	_ =	swait.ge [sflag:s16], $0x800  }
0xc0: {  	[sflag:s16] =	ssyncset.done $0x0  }
0xc1: {  	[sflag:s16] =	ssyncadd.s32 $0xFFFFF800  }
0xc2: {  	[spmem:s4] =	stream.indirect_vreg.scatter.add.f32 [tilespmem:s31], [sflag:$0x5], $0x80, v5, vm0, $0xb8;
	[tilespmem:$0x1FE80] =	vst v63  }
0xc3: {  	_ =	swait.ge [sflag:s16], $0x800  }
0xc4: {  	[sflag:s16] =	ssyncset.done $0x0  }
0xc5: {  	[sflag:s16] =	ssyncadd.s32 $0xFFFFF800  }
0xc6: {  	[spmem:s4] =	stream.indirect_vreg.scatter.add.f32 [tilespmem:s1], [sflag:$0x5], $0x80, v6, vm0, $0xb8;
	[tilespmem:$0x1FE80] =	vst v63  }
0xc7: {  	_ =	swait.ge [sflag:s16], $0x800  }
0xc8: {  	s26 =	stileid.u32;
	[sflag:s16] =	ssyncset.done $0x0  }
0xc9: {  	s2 =	sshll.u32 s26, $0x6;
	[sflag:s16] =	ssyncadd.s32 $0xFFFFF800  }
0xca: {  	s18 =	sshrl.u32 s7, $0x3;
	s2 =	sor.u32 $0x1C05, s2;
	[bflag:$0x0] =	sbarrier.arrive $0xFFFF  }
0xcb: {  	[hbm:s9], [sflag:s2] =	dma.local [spmem:s18], $0x2800  }
0xcc: {  	_ =	swait.ge [sflag:s16], $0x2800  }
0xcd: {  	s5 =	sadd.s32 $0x1, s5;
	[sflag:s16] =	ssyncset.done $0x0  }
0xce: {  	p1 =	sne.s32 s5, s11;
	s18 =	sshrl.u32 @!p0 s8, $0x3;
	[sflag:s16] =	ssyncadd.s32 $0xFFFFD800  }
0xcf: {  	[hbm:s10], [sflag:s2] =	dma.local @!p0 [spmem:s18], $0x80  }
.Ltmp3:
0xd0: {  	_ = 	snop;
	(pc) =	sbr.rel @p1 .LBB2_1-.Ltmp3, $4  }
0xd1: {  	s2 =	simm.s32 @!p0 $0x5  }
0xd2: {  	_ =	swait.ge @!p0 [sflag:s2], $0x80  }
0xd3: {  	[sflag:s2] =	ssyncset.done @!p0 $0x0  }
0xd4: {  	[sflag:s2] =	ssyncadd.s32 @!p0 $0xFFFFFF80  }
0xd5: {  	_ =	sfence.sel $0x180000  }
0xd6: {  	[bflag:$0x0] =	sbarrier.arrive $0xFFFF  }
0xd7: {  	_ =	strace $0x90000047  }
0xd8: {  	s0 =	stileid.u32;
	[bflag:$0x2] =	sbarrier.arrive $0xFFFF  }
0xd9: {  	p0 =	sne.s32 s0, $0x0;
	s0 =	rddreg [dreg:$0x5]  }
0xda: {  	s0 =	sadd.s32 @!p0 $0x100000, s0  }
0xdb: {  	[sflag:s0] =	ssyncadd.tile.s32 @!p0 $0x1;
	_ =	shalt  }
.Lfunc_end2:
_tile_overlayer_lowered:
.L_overlay_start_2:
0xdc: {  	(tag) =	ssettag $0x2  }
0xdd: {  	s0 =	rddreg [dreg:$0x0];
	s2 =	stileid.u32  }
0xde: {  	s1 =	rddreg [dreg:$0x1];
	p0 =	sne.s32 s2, $0x0  }
0xdf: {  	s3 =	rddreg [dreg:$0x2];
	[bflag:$0x3] =	sbarrier.arrive $0xFFFF;
	s2 =	simm.s32 @!p0 $0x1C05  }
0xe0: {  	[timem:s3], [sflag:s2] =	dma.local @!p0 [hbm:s0], s1  }
0xe1: {  	s0 =	simm.s32 @!p0 $0x5  }
0xe2: {  	_ =	swait.ge @!p0 [sflag:s0], s1  }
0xe3: {  	s1 =	ssub.s32 @!p0 $0x0, s1;
	[sflag:s0] =	ssyncset.done @!p0 $0x0  }
0xe4: {  	[sflag:s0] =	ssyncadd.s32 @!p0 s1  }
0xe5: {  	[bflag:$0x3] =	sbarrier.arrive $0xFFFF  }
0xe6: {  	_ =	shalt  }

</sc_bundles>
